<compile_context>
chip_gen: v7x
topology: tpu7x:2x2x1
jax: 0.10.2.dev20260603
libtpu: 0.0.44.dev20260713+nightly
codegen_flags: <defaults>
</compile_context>

<pallas_src>
import functools

import jax
import jax.numpy as jnp
from jax import lax
from jax.experimental import pallas as pl
from jax.experimental.pallas import tpu as pltpu
from jax.experimental.pallas import tpu_sc as plsc

_D = 128
_CH = 128


def _sc_degrees(srcp, dstp, *, nc, ns, npad, cpw):
    mesh = plsc.VectorSubcoreMesh(core_axis_name="c", subcore_axis_name="s")
    nw = nc * ns

    @functools.partial(
        pl.kernel,
        out_type=jax.ShapeDtypeStruct((2 * nw * npad,), jnp.float32),
        mesh=mesh,
        scratch_types=[
            pltpu.VMEM((cpw, _CH), jnp.int32),
            pltpu.VMEM((cpw, _CH), jnp.int32),
            pltpu.VMEM((npad,), jnp.float32),
            pltpu.VMEM((npad,), jnp.float32),
        ],
        compiler_params=pltpu.CompilerParams(needs_layout_passes=False),
    )
    def deg_kernel(srcp_hbm, dstp_hbm, out_hbm, src_v, dst_v, dsrc_l, ddst_l):
        c = lax.axis_index("c")
        s = lax.axis_index("s")
        wid = s * nc + c
        pltpu.sync_copy(srcp_hbm.at[pl.ds(wid * cpw, cpw)], src_v)
        pltpu.sync_copy(dstp_hbm.at[pl.ds(wid * cpw, cpw)], dst_v)
        z = jnp.zeros((16,), jnp.float32)

        def zero(i, carry):
            dsrc_l[pl.ds(i * 16, 16)] = z
            ddst_l[pl.ds(i * 16, 16)] = z
            return carry

        lax.fori_loop(0, npad // 16, zero, 0)
        ones = jnp.ones((16,), jnp.float32)

        def step(j, carry):
            for k in range(_CH // 16):
                idx = src_v[j, pl.ds(k * 16, 16)]
                plsc.addupdate_scatter(dsrc_l, [idx], ones)
            for k in range(_CH // 16):
                idx = dst_v[j, pl.ds(k * 16, 16)]
                plsc.addupdate_scatter(ddst_l, [idx], ones)
            return carry

        lax.fori_loop(0, cpw, step, 0)
        pltpu.sync_copy(dsrc_l, out_hbm.at[pl.ds(wid * npad, npad)])
        pltpu.sync_copy(ddst_l, out_hbm.at[pl.ds((nw + wid) * npad, npad)])

    return deg_kernel(srcp, dstp)


def _sc_aggregate(feat, srcp, dstp, zrows, *, nc, ns, npad, cpw, rps,
                  cpw0, cpw1):
    mesh = plsc.VectorSubcoreMesh(core_axis_name="c", subcore_axis_name="s")
    base1 = ns * cpw0

    @functools.partial(
        pl.kernel,
        out_type=jax.ShapeDtypeStruct((nc, npad, _D), jnp.float32),
        mesh=mesh,
        scratch_types=[
            pltpu.VMEM_SHARED((npad, _D), jnp.float32),
            pltpu.VMEM((cpw0, _CH), jnp.int32),
            pltpu.VMEM((cpw0, _CH), jnp.int32),
            pltpu.VMEM((_CH, _D), jnp.float32),
        ],
    )
    def agg_kernel(feat_hbm, srcp_hbm, dstp_hbm, zr_hbm, out_hbm,
                   agg_sh, src_v, dst_v, buf):
        c = lax.axis_index("c")
        s = lax.axis_index("s")
        off = jnp.where(c == 0, s * cpw0, base1 + s * cpw1)
        my = jnp.where(c == 0, cpw0, cpw1)
        pltpu.sync_copy(zr_hbm, agg_sh.at[pl.ds(s * rps, rps)])
        pltpu.sync_copy(srcp_hbm.at[pl.ds(off, cpw0)], src_v)
        pltpu.sync_copy(dstp_hbm.at[pl.ds(off, cpw0)], dst_v)
        plsc.subcore_barrier()

        def step(j, carry):
            pltpu.sync_copy(feat_hbm.at[src_v.at[j]], buf)
            pltpu.sync_copy(buf, agg_sh.at[dst_v.at[j]], add=True)
            return carry

        lax.fori_loop(0, my, step, 0)
        plsc.subcore_barrier()
        pltpu.sync_copy(agg_sh.at[pl.ds(s * rps, rps)],
                        out_hbm.at[c, pl.ds(s * rps, rps)])

    return agg_kernel(feat, srcp, dstp, zrows)


def _tc_feat(xpad, degs_t, *, npad, nw):
    blk = 256

    def body(x_ref, deg_ref, o_ref):
        d = jnp.sum(deg_ref[0], axis=1, keepdims=True)
        norm = lax.rsqrt(jnp.maximum(d, 1.0))
        o_ref[...] = x_ref[...] * norm

    return pl.pallas_call(
        body,
        grid=(npad // blk,),
        in_specs=[
            pl.BlockSpec((blk, _D), lambda i: (i, 0)),
            pl.BlockSpec((1, blk, nw), lambda i: (0, i, 0)),
        ],
        out_specs=pl.BlockSpec((blk, _D), lambda i: (i, 0)),
        out_shape=jax.ShapeDtypeStruct((npad, _D), jnp.float32),
    )(xpad, degs_t)


def _tc_finish(parts, degs_t, W, b2, *, npad, nw):
    blk = 256

    def body(p_ref, deg_ref, w_ref, b_ref, o_ref):
        agg = p_ref[0] + p_ref[1]
        d = jnp.sum(deg_ref[0], axis=1, keepdims=True)
        norm = lax.rsqrt(jnp.maximum(d, 1.0))
        agg = agg * norm
        o_ref[...] = jnp.dot(agg, w_ref[...],
                             preferred_element_type=jnp.float32) + b_ref[...]

    return pl.pallas_call(
        body,
        grid=(npad // blk,),
        in_specs=[
            pl.BlockSpec((2, blk, _D), lambda i: (0, i, 0)),
            pl.BlockSpec((1, blk, nw), lambda i: (1, i, 0)),
            pl.BlockSpec((_D, _D), lambda i: (0, 0)),
            pl.BlockSpec((1, _D), lambda i: (0, 0)),
        ],
        out_specs=pl.BlockSpec((blk, _D), lambda i: (i, 0)),
        out_shape=jax.ShapeDtypeStruct((npad, _D), jnp.float32),
    )(parts, degs_t, W, b2)


def kernel(x, edge_index, W, b):
    n, d = x.shape
    e = edge_index.shape[1]
    info = plsc.get_sparse_core_info()
    nc, ns = info.num_cores, info.num_subcores
    nw = nc * ns

    rps = -(-(n + 1) // (ns * 128)) * 128
    npad = ns * rps
    cpw = -(-(-(-e // (nw * _CH))) // 8) * 8
    epad = nw * cpw * _CH

    cpw0 = ((2 * cpw * 4) // 5) // 8 * 8
    cpw1 = 2 * cpw - cpw0

    xpad = jnp.zeros((npad, d), jnp.float32).at[:n].set(x)
    fill = jnp.full((epad - e,), n, dtype=jnp.int32)
    srcp = jnp.concatenate([edge_index[0].astype(jnp.int32), fill])
    dstp = jnp.concatenate([edge_index[1].astype(jnp.int32), fill])
    srcp = srcp.reshape(nw * cpw, _CH)
    dstp = dstp.reshape(nw * cpw, _CH)
    slack = jnp.full((cpw0, _CH), n, dtype=jnp.int32)
    srcp_s = jnp.concatenate([srcp, slack])
    dstp_s = jnp.concatenate([dstp, slack])
    zrows = jnp.zeros((rps, d), jnp.float32)

    degs = _sc_degrees(srcp, dstp, nc=nc, ns=ns, npad=npad, cpw=cpw)
    degs_t = degs.reshape(2, nw, npad).transpose(0, 2, 1)
    feat = _tc_feat(xpad, degs_t, npad=npad, nw=nw)
    parts = _sc_aggregate(feat, srcp_s, dstp_s, zrows,
                          nc=nc, ns=ns, npad=npad, cpw=cpw, rps=rps,
                          cpw0=cpw0, cpw1=cpw1)
    out = _tc_finish(parts, degs_t, W, b.reshape(1, d), npad=npad, nw=nw)
    return out[:n]

# --- scband reference (transcript-rebuilt; emitter-appended) ---
"""Pipeline reference for scband-drug-lampbase-87265145520699 (READ-ONLY COPY).

The authoritative reference and input builder live on the scoring server;
editing this copy changes nothing except your own understanding.
"""

import jax, jax.numpy as jnp
import numpy as np

N_NODES = 10000
N_EDGES = 320000
D_FEAT = 128


def setup_inputs(seed: int = 0) -> dict:
    key = jax.random.key(seed)
    k1, k2, k3 = jax.random.split(key, 3)
    x = jax.random.normal(k1, (N_NODES, D_FEAT), dtype=jnp.float32)
    edge_index = jax.random.randint(k2, (2, N_EDGES), 0, N_NODES)
    # GraphConv learned params: weight (xavier_uniform), bias (zeros)
    limit = float(np.sqrt(6.0 / (D_FEAT + D_FEAT)))
    W = jax.random.uniform(k3, (D_FEAT, D_FEAT), dtype=jnp.float32, minval=-limit, maxval=limit)
    b = jnp.zeros((D_FEAT,), dtype=jnp.float32)
    return {"x": x, "edge_index": edge_index, "W": W, "b": b}


def reference(x, edge_index, W, b):
    # DGL GraphConv with norm='both', in_feats == out_feats -> aggregate first, then matmul.
    N = x.shape[0]
    src = edge_index[0]
    dst = edge_index[1]
    # symmetric normalization: 1/sqrt(out_deg(src)) * 1/sqrt(in_deg(dst)), degrees clamped to >= 1
    deg_out = jnp.clip(jnp.bincount(src, length=N), 1, None).astype(x.dtype)
    deg_in = jnp.clip(jnp.bincount(dst, length=N), 1, None).astype(x.dtype)
    norm_src = jax.lax.rsqrt(deg_out)
    norm_dst = jax.lax.rsqrt(deg_in)
    feat = x * norm_src[:, None]
    # message passing: gather from src, scatter-add to dst
    msg = jnp.take(feat, src, axis=0)
    agg = jax.ops.segment_sum(msg, dst, num_segments=N)
    agg = agg * norm_dst[:, None]
    out = agg @ W + b
    return out

if __name__ == "__main__":
    import jax
    _d = setup_inputs()
    print(jax.jit(kernel)(*tuple(_d.values())))

</pallas_src>

<mosaic_0001>
#map = affine_map<(d0, d1) -> (0, 0)>
#map1 = affine_map<(d0, d1) -> (0)>
module attributes {stable_mosaic.version = 14 : i64} {
  func.func @deg_kernel(%arg0: i32, %arg1: i32, %arg2: memref<2560x128xi32, #tpu.memory_space<hbm>>, %arg3: memref<2560x128xi32, #tpu.memory_space<hbm>>, %arg4: memref<655360xf32, #tpu.memory_space<hbm>>, %arg5: memref<80x128xi32, #tpu.memory_space<vmem>>, %arg6: memref<80x128xi32, #tpu.memory_space<vmem>>, %arg7: memref<10240xf32, #tpu.memory_space<vmem>>, %arg8: memref<10240xf32, #tpu.memory_space<vmem>>) attributes {dimension_semantics = [#tpu.dimension_semantics<core_parallel>, #tpu.dimension_semantics<subcore_parallel>], iteration_bounds = array<i64: 2, 16>, scalar_prefetch = 0 : i64, scratch_operands = 4 : i64, tpu.core_type = #tpu.core_type<sc_vector_subcore>, window_params = [{transform_indices = #map}, {transform_indices = #map}, {transform_indices = #map1}]} {
    %mul3A = arith.constant 2 : i32
    %mul3A_0 = arith.muli %arg1, %mul3A : i32
    %add3A = arith.addi %mul3A_0, %arg0 : i32
    %mul3A_1 = arith.constant 80 : i32
    %mul3A_2 = arith.muli %add3A, %mul3A_1 : i32
    "tpu.region"() ({
      %run_scoped3A = tpu.sem_alloc : memref<!tpu.dma_semaphore, #tpu.memory_space<semaphore_mem>>
      %dma_start3A = arith.constant 0 : i32
      %dma_start3A_25 = tpu.memref_slice %arg2[%mul3A_2, %dma_start3A] : memref<2560x128xi32, #tpu.memory_space<hbm>> -> memref<80x128xi32, #tpu.memory_space<hbm>>
      %dma_start3A_26 = arith.constant 0 : i32
      %dma_start3A_27 = tpu.memref_slice %arg2[%mul3A_2, %dma_start3A_26] : memref<2560x128xi32, #tpu.memory_space<hbm>> -> memref<80x128xi32, #tpu.memory_space<hbm>>
      tpu.enqueue_dma source(%dma_start3A_27 : memref<80x128xi32, #tpu.memory_space<hbm>>) target(%arg5 : memref<80x128xi32, #tpu.memory_space<vmem>>) target_semaphore(%run_scoped3A : memref<!tpu.dma_semaphore, #tpu.memory_space<semaphore_mem>>)
      %dma_wait3A = arith.constant 0 : i32
      %dma_wait3A_28 = tpu.memref_slice %arg2[%mul3A_2, %dma_wait3A] : memref<2560x128xi32, #tpu.memory_space<hbm>> -> memref<80x128xi32, #tpu.memory_space<hbm>>
      %dma_wait3A_29 = arith.constant 0 : i32
      %dma_wait3A_30 = tpu.memref_slice %arg2[%mul3A_2, %dma_wait3A_29] : memref<2560x128xi32, #tpu.memory_space<hbm>> -> memref<80x128xi32, #tpu.memory_space<hbm>>
      tpu.wait_dma2 semaphore(%run_scoped3A : memref<!tpu.dma_semaphore, #tpu.memory_space<semaphore_mem>>) src(%dma_wait3A_30 : memref<80x128xi32, #tpu.memory_space<hbm>>) dst(%arg5 : memref<80x128xi32, #tpu.memory_space<vmem>>)
      tpu.yield
    }) : () -> ()
    %mul3A_3 = arith.constant 80 : i32
    %mul3A_4 = arith.muli %add3A, %mul3A_3 : i32
    "tpu.region"() ({
      %run_scoped3A = tpu.sem_alloc : memref<!tpu.dma_semaphore, #tpu.memory_space<semaphore_mem>>
      %dma_start3A = arith.constant 0 : i32
      %dma_start3A_25 = tpu.memref_slice %arg3[%mul3A_4, %dma_start3A] : memref<2560x128xi32, #tpu.memory_space<hbm>> -> memref<80x128xi32, #tpu.memory_space<hbm>>
      %dma_start3A_26 = arith.constant 0 : i32
      %dma_start3A_27 = tpu.memref_slice %arg3[%mul3A_4, %dma_start3A_26] : memref<2560x128xi32, #tpu.memory_space<hbm>> -> memref<80x128xi32, #tpu.memory_space<hbm>>
      tpu.enqueue_dma source(%dma_start3A_27 : memref<80x128xi32, #tpu.memory_space<hbm>>) target(%arg6 : memref<80x128xi32, #tpu.memory_space<vmem>>) target_semaphore(%run_scoped3A : memref<!tpu.dma_semaphore, #tpu.memory_space<semaphore_mem>>)
      %dma_wait3A = arith.constant 0 : i32
      %dma_wait3A_28 = tpu.memref_slice %arg3[%mul3A_4, %dma_wait3A] : memref<2560x128xi32, #tpu.memory_space<hbm>> -> memref<80x128xi32, #tpu.memory_space<hbm>>
      %dma_wait3A_29 = arith.constant 0 : i32
      %dma_wait3A_30 = tpu.memref_slice %arg3[%mul3A_4, %dma_wait3A_29] : memref<2560x128xi32, #tpu.memory_space<hbm>> -> memref<80x128xi32, #tpu.memory_space<hbm>>
      tpu.wait_dma2 semaphore(%run_scoped3A : memref<!tpu.dma_semaphore, #tpu.memory_space<semaphore_mem>>) src(%dma_wait3A_30 : memref<80x128xi32, #tpu.memory_space<hbm>>) dst(%arg6 : memref<80x128xi32, #tpu.memory_space<vmem>>)
      tpu.yield
    }) : () -> ()
    %broadcast_in_dim3A = arith.constant 0.000000e+00 : f32
    %broadcast_in_dim3A_5 = vector.broadcast %broadcast_in_dim3A : f32 to vector<16xf32>
    %scan3A = arith.constant 0 : i32
    %scan3A_6 = arith.constant 0 : i32
    %scan3A_7 = arith.constant 640 : i32
    %scan3A_8 = arith.addi %scan3A_6, %scan3A_7 : i32
    %scan3A_9 = arith.constant 1 : i32
    scf.for %scan3A_25 = %scan3A_6 to %scan3A_8 step %scan3A_9  : i32 {
      %mul3A_26 = arith.constant 16 : i32
      %mul3A_27 = arith.muli %scan3A_25, %mul3A_26 : i32
      %swap3A = arith.index_cast %mul3A_27 : i32 to index
      %swap3A_28 = tpu.vector_load %arg7[%swap3A] {strides = array<i32>} : memref<10240xf32, #tpu.memory_space<vmem>>, vector<16xf32>,
      tpu.vector_store %arg7[%swap3A], %broadcast_in_dim3A_5 {strides = array<i32>} : memref<10240xf32, #tpu.memory_space<vmem>>, vector<16xf32>,
      %mul3A_29 = arith.constant 16 : i32
      %mul3A_30 = arith.muli %scan3A_25, %mul3A_29 : i32
      %swap3A_31 = arith.index_cast %mul3A_30 : i32 to index
      %swap3A_32 = tpu.vector_load %arg8[%swap3A_31] {strides = array<i32>} : memref<10240xf32, #tpu.memory_space<vmem>>, vector<16xf32>,
      tpu.vector_store %arg8[%swap3A_31], %broadcast_in_dim3A_5 {strides = array<i32>} : memref<10240xf32, #tpu.memory_space<vmem>>, vector<16xf32>,
    }
    %scan3A_10 = arith.constant 640 : i32
    %broadcast_in_dim3A_11 = arith.constant 1.000000e+00 : f32
    %broadcast_in_dim3A_12 = vector.broadcast %broadcast_in_dim3A_11 : f32 to vector<16xf32>
    %scan3A_13 = arith.constant 0 : i32
    %scan3A_14 = arith.constant 0 : i32
    %scan3A_15 = arith.constant 80 : i32
    %scan3A_16 = arith.addi %scan3A_14, %scan3A_15 : i32
    %scan3A_17 = arith.constant 1 : i32
    scf.for %scan3A_25 = %scan3A_14 to %scan3A_16 step %scan3A_17  : i32 {
      %get3A = arith.index_cast %scan3A_25 : i32 to index
      %get3A_26 = arith.constant 0 : index
      %get3A_27 = tpu.vector_load %arg5[%get3A, %get3A_26] {strides = array<i32>} : memref<80x128xi32, #tpu.memory_space<vmem>>, vector<16xi32>,
      tpu.vector_store_idx %arg7[%get3A_27], %broadcast_in_dim3A_12 {add = true} : memref<10240xf32, #tpu.memory_space<vmem>>[vector<16xi32>], vector<16xf32>,
      %get3A_28 = arith.index_cast %scan3A_25 : i32 to index
      %get3A_29 = arith.constant 16 : index
      %get3A_30 = tpu.vector_load %arg5[%get3A_28, %get3A_29] {strides = array<i32>} : memref<80x128xi32, #tpu.memory_space<vmem>>, vector<16xi32>,
      tpu.vector_store_idx %arg7[%get3A_30], %broadcast_in_dim3A_12 {add = true} : memref<10240xf32, #tpu.memory_space<vmem>>[vector<16xi32>], vector<16xf32>,
      %get3A_31 = arith.index_cast %scan3A_25 : i32 to index
      %get3A_32 = arith.constant 32 : index
      %get3A_33 = tpu.vector_load %arg5[%get3A_31, %get3A_32] {strides = array<i32>} : memref<80x128xi32, #tpu.memory_space<vmem>>, vector<16xi32>,
      tpu.vector_store_idx %arg7[%get3A_33], %broadcast_in_dim3A_12 {add = true} : memref<10240xf32, #tpu.memory_space<vmem>>[vector<16xi32>], vector<16xf32>,
      %get3A_34 = arith.index_cast %scan3A_25 : i32 to index
      %get3A_35 = arith.constant 48 : index
      %get3A_36 = tpu.vector_load %arg5[%get3A_34, %get3A_35] {strides = array<i32>} : memref<80x128xi32, #tpu.memory_space<vmem>>, vector<16xi32>,
      tpu.vector_store_idx %arg7[%get3A_36], %broadcast_in_dim3A_12 {add = true} : memref<10240xf32, #tpu.memory_space<vmem>>[vector<16xi32>], vector<16xf32>,
      %get3A_37 = arith.index_cast %scan3A_25 : i32 to index
      %get3A_38 = arith.constant 64 : index
      %get3A_39 = tpu.vector_load %arg5[%get3A_37, %get3A_38] {strides = array<i32>} : memref<80x128xi32, #tpu.memory_space<vmem>>, vector<16xi32>,
      tpu.vector_store_idx %arg7[%get3A_39], %broadcast_in_dim3A_12 {add = true} : memref<10240xf32, #tpu.memory_space<vmem>>[vector<16xi32>], vector<16xf32>,
      %get3A_40 = arith.index_cast %scan3A_25 : i32 to index
      %get3A_41 = arith.constant 80 : index
      %get3A_42 = tpu.vector_load %arg5[%get3A_40, %get3A_41] {strides = array<i32>} : memref<80x128xi32, #tpu.memory_space<vmem>>, vector<16xi32>,
      tpu.vector_store_idx %arg7[%get3A_42], %broadcast_in_dim3A_12 {add = true} : memref<10240xf32, #tpu.memory_space<vmem>>[vector<16xi32>], vector<16xf32>,
      %get3A_43 = arith.index_cast %scan3A_25 : i32 to index
      %get3A_44 = arith.constant 96 : index
      %get3A_45 = tpu.vector_load %arg5[%get3A_43, %get3A_44] {strides = array<i32>} : memref<80x128xi32, #tpu.memory_space<vmem>>, vector<16xi32>,
      tpu.vector_store_idx %arg7[%get3A_45], %broadcast_in_dim3A_12 {add = true} : memref<10240xf32, #tpu.memory_space<vmem>>[vector<16xi32>], vector<16xf32>,
      %get3A_46 = arith.index_cast %scan3A_25 : i32 to index
      %get3A_47 = arith.constant 112 : index
      %get3A_48 = tpu.vector_load %arg5[%get3A_46, %get3A_47] {strides = array<i32>} : memref<80x128xi32, #tpu.memory_space<vmem>>, vector<16xi32>,
      tpu.vector_store_idx %arg7[%get3A_48], %broadcast_in_dim3A_12 {add = true} : memref<10240xf32, #tpu.memory_space<vmem>>[vector<16xi32>], vector<16xf32>,
      %get3A_49 = arith.index_cast %scan3A_25 : i32 to index
      %get3A_50 = arith.constant 0 : index
      %get3A_51 = tpu.vector_load %arg6[%get3A_49, %get3A_50] {strides = array<i32>} : memref<80x128xi32, #tpu.memory_space<vmem>>, vector<16xi32>,
      tpu.vector_store_idx %arg8[%get3A_51], %broadcast_in_dim3A_12 {add = true} : memref<10240xf32, #tpu.memory_space<vmem>>[vector<16xi32>], vector<16xf32>,
      %get3A_52 = arith.index_cast %scan3A_25 : i32 to index
      %get3A_53 = arith.constant 16 : index
      %get3A_54 = tpu.vector_load %arg6[%get3A_52, %get3A_53] {strides = array<i32>} : memref<80x128xi32, #tpu.memory_space<vmem>>, vector<16xi32>,
      tpu.vector_store_idx %arg8[%get3A_54], %broadcast_in_dim3A_12 {add = true} : memref<10240xf32, #tpu.memory_space<vmem>>[vector<16xi32>], vector<16xf32>,
      %get3A_55 = arith.index_cast %scan3A_25 : i32 to index
      %get3A_56 = arith.constant 32 : index
      %get3A_57 = tpu.vector_load %arg6[%get3A_55, %get3A_56] {strides = array<i32>} : memref<80x128xi32, #tpu.memory_space<vmem>>, vector<16xi32>,
      tpu.vector_store_idx %arg8[%get3A_57], %broadcast_in_dim3A_12 {add = true} : memref<10240xf32, #tpu.memory_space<vmem>>[vector<16xi32>], vector<16xf32>,
      %get3A_58 = arith.index_cast %scan3A_25 : i32 to index
      %get3A_59 = arith.constant 48 : index
      %get3A_60 = tpu.vector_load %arg6[%get3A_58, %get3A_59] {strides = array<i32>} : memref<80x128xi32, #tpu.memory_space<vmem>>, vector<16xi32>,
      tpu.vector_store_idx %arg8[%get3A_60], %broadcast_in_dim3A_12 {add = true} : memref<10240xf32, #tpu.memory_space<vmem>>[vector<16xi32>], vector<16xf32>,
      %get3A_61 = arith.index_cast %scan3A_25 : i32 to index
      %get3A_62 = arith.constant 64 : index
      %get3A_63 = tpu.vector_load %arg6[%get3A_61, %get3A_62] {strides = array<i32>} : memref<80x128xi32, #tpu.memory_space<vmem>>, vector<16xi32>,
      tpu.vector_store_idx %arg8[%get3A_63], %broadcast_in_dim3A_12 {add = true} : memref<10240xf32, #tpu.memory_space<vmem>>[vector<16xi32>], vector<16xf32>,
      %get3A_64 = arith.index_cast %scan3A_25 : i32 to index
      %get3A_65 = arith.constant 80 : index
      %get3A_66 = tpu.vector_load %arg6[%get3A_64, %get3A_65] {strides = array<i32>} : memref<80x128xi32, #tpu.memory_space<vmem>>, vector<16xi32>,
      tpu.vector_store_idx %arg8[%get3A_66], %broadcast_in_dim3A_12 {add = true} : memref<10240xf32, #tpu.memory_space<vmem>>[vector<16xi32>], vector<16xf32>,
      %get3A_67 = arith.index_cast %scan3A_25 : i32 to index
      %get3A_68 = arith.constant 96 : index
      %get3A_69 = tpu.vector_load %arg6[%get3A_67, %get3A_68] {strides = array<i32>} : memref<80x128xi32, #tpu.memory_space<vmem>>, vector<16xi32>,
      tpu.vector_store_idx %arg8[%get3A_69], %broadcast_in_dim3A_12 {add = true} : memref<10240xf32, #tpu.memory_space<vmem>>[vector<16xi32>], vector<16xf32>,
      %get3A_70 = arith.index_cast %scan3A_25 : i32 to index
      %get3A_71 = arith.constant 112 : index
      %get3A_72 = tpu.vector_load %arg6[%get3A_70, %get3A_71] {strides = array<i32>} : memref<80x128xi32, #tpu.memory_space<vmem>>, vector<16xi32>,
      tpu.vector_store_idx %arg8[%get3A_72], %broadcast_in_dim3A_12 {add = true} : memref<10240xf32, #tpu.memory_space<vmem>>[vector<16xi32>], vector<16xf32>,
    }
    %scan3A_18 = arith.constant 80 : i32
    %mul3A_19 = arith.constant 10240 : i32
    %mul3A_20 = arith.muli %add3A, %mul3A_19 : i32
    "tpu.region"() ({
      %run_scoped3A = tpu.sem_alloc : memref<!tpu.dma_semaphore, #tpu.memory_space<semaphore_mem>>
      %dma_start3A = tpu.memref_slice %arg4[%mul3A_20] : memref<655360xf32, #tpu.memory_space<hbm>> -> memref<10240xf32, #tpu.memory_space<hbm>>
      %dma_start3A_25 = tpu.memref_slice %arg4[%mul3A_20] : memref<655360xf32, #tpu.memory_space<hbm>> -> memref<10240xf32, #tpu.memory_space<hbm>>
      tpu.enqueue_dma source(%arg7 : memref<10240xf32, #tpu.memory_space<vmem>>) target(%dma_start3A_25 : memref<10240xf32, #tpu.memory_space<hbm>>) target_semaphore(%run_scoped3A : memref<!tpu.dma_semaphore, #tpu.memory_space<semaphore_mem>>)
      %dma_wait3A = tpu.memref_slice %arg4[%mul3A_20] : memref<655360xf32, #tpu.memory_space<hbm>> -> memref<10240xf32, #tpu.memory_space<hbm>>
      %dma_wait3A_26 = tpu.memref_slice %arg4[%mul3A_20] : memref<655360xf32, #tpu.memory_space<hbm>> -> memref<10240xf32, #tpu.memory_space<hbm>>
      tpu.wait_dma2 semaphore(%run_scoped3A : memref<!tpu.dma_semaphore, #tpu.memory_space<semaphore_mem>>) src(%arg7 : memref<10240xf32, #tpu.memory_space<vmem>>) dst(%dma_wait3A_26 : memref<10240xf32, #tpu.memory_space<hbm>>)
      tpu.yield
    }) : () -> ()
    %add3A_21 = arith.constant 32 : i32
    %add3A_22 = arith.addi %add3A_21, %add3A : i32
    %mul3A_23 = arith.constant 10240 : i32
    %mul3A_24 = arith.muli %add3A_22, %mul3A_23 : i32
    "tpu.region"() ({
      %run_scoped3A = tpu.sem_alloc : memref<!tpu.dma_semaphore, #tpu.memory_space<semaphore_mem>>
      %dma_start3A = tpu.memref_slice %arg4[%mul3A_24] : memref<655360xf32, #tpu.memory_space<hbm>> -> memref<10240xf32, #tpu.memory_space<hbm>>
      %dma_start3A_25 = tpu.memref_slice %arg4[%mul3A_24] : memref<655360xf32, #tpu.memory_space<hbm>> -> memref<10240xf32, #tpu.memory_space<hbm>>
      tpu.enqueue_dma source(%arg8 : memref<10240xf32, #tpu.memory_space<vmem>>) target(%dma_start3A_25 : memref<10240xf32, #tpu.memory_space<hbm>>) target_semaphore(%run_scoped3A : memref<!tpu.dma_semaphore, #tpu.memory_space<semaphore_mem>>)
      %dma_wait3A = tpu.memref_slice %arg4[%mul3A_24] : memref<655360xf32, #tpu.memory_space<hbm>> -> memref<10240xf32, #tpu.memory_space<hbm>>
      %dma_wait3A_26 = tpu.memref_slice %arg4[%mul3A_24] : memref<655360xf32, #tpu.memory_space<hbm>> -> memref<10240xf32, #tpu.memory_space<hbm>>
      tpu.wait_dma2 semaphore(%run_scoped3A : memref<!tpu.dma_semaphore, #tpu.memory_space<semaphore_mem>>) src(%arg8 : memref<10240xf32, #tpu.memory_space<vmem>>) dst(%dma_wait3A_26 : memref<10240xf32, #tpu.memory_space<hbm>>)
      tpu.yield
    }) : () -> ()
    return
  }
}

#map = affine_map<(d0, d1) -> (0, 0)>
#map1 = affine_map<(d0, d1) -> (0, 0, 0)>
module attributes {stable_mosaic.version = 14 : i64} {
  func.func @agg_kernel(%arg0: i32, %arg1: i32, %arg2: memref<10240x128xf32, #tpu.memory_space<hbm>>, %arg3: memref<2688x128xi32, #tpu.memory_space<hbm>>, %arg4: memref<2688x128xi32, #tpu.memory_space<hbm>>, %arg5: memref<640x128xf32, #tpu.memory_space<hbm>>, %arg6: memref<2x10240x128xf32, #tpu.memory_space<hbm>>, %arg7: memref<10240x128xf32, #tpu.memory_space<vmem_shared>>, %arg8: memref<128x128xi32, #tpu.memory_space<vmem>>, %arg9: memref<128x128xi32, #tpu.memory_space<vmem>>, %arg10: memref<128x128xf32, #tpu.memory_space<vmem>>) attributes {dimension_semantics = [#tpu.dimension_semantics<core_parallel>, #tpu.dimension_semantics<subcore_parallel>], iteration_bounds = array<i64: 2, 16>, scalar_prefetch = 0 : i64, scratch_operands = 4 : i64, tpu.core_type = #tpu.core_type<sc_vector_subcore>, window_params = [{transform_indices = #map}, {transform_indices = #map}, {transform_indices = #map}, {transform_indices = #map}, {transform_indices = #map1}]} {
    %eq3A = arith.constant 0 : i32
    %eq3A_0 = arith.cmpi eq, %arg0, %eq3A : i32
    %mul3A = arith.constant 128 : i32
    %mul3A_1 = arith.muli %arg1, %mul3A : i32
    %mul3A_2 = arith.constant 32 : i32
    %mul3A_3 = arith.muli %arg1, %mul3A_2 : i32
    %add3A = arith.constant 2048 : i32
    %add3A_4 = arith.addi %add3A, %mul3A_3 : i32
    %select_n3A = arith.select %eq3A_0, %mul3A_1, %add3A_4 : i32
    %eq3A_5 = arith.constant 0 : i32
    %eq3A_6 = arith.cmpi eq, %arg0, %eq3A_5 : i32
    %jit3A = arith.constant 128 : i32
    %jit3A_7 = arith.constant 32 : i32
    %select_n3A_8 = arith.select %eq3A_6, %jit3A, %jit3A_7 : i32
    %mul3A_9 = arith.constant 640 : i32
    %mul3A_10 = arith.muli %arg1, %mul3A_9 : i32
    "tpu.region"() ({
      %run_scoped3A = tpu.sem_alloc : memref<!tpu.dma_semaphore, #tpu.memory_space<semaphore_mem>>
      %dma_start3A = arith.constant 0 : i32
      %dma_start3A_25 = tpu.memref_slice %arg7[%mul3A_10, %dma_start3A] : memref<10240x128xf32, #tpu.memory_space<vmem_shared>> -> memref<640x128xf32, #tpu.memory_space<vmem_shared>>
      tpu.enqueue_dma source(%arg5 : memref<640x128xf32, #tpu.memory_space<hbm>>) target(%dma_start3A_25 : memref<640x128xf32, #tpu.memory_space<vmem_shared>>) target_semaphore(%run_scoped3A : memref<!tpu.dma_semaphore, #tpu.memory_space<semaphore_mem>>)
      %dma_wait3A = arith.constant 0 : i32
      %dma_wait3A_26 = tpu.memref_slice %arg7[%mul3A_10, %dma_wait3A] : memref<10240x128xf32, #tpu.memory_space<vmem_shared>> -> memref<640x128xf32, #tpu.memory_space<vmem_shared>>
      tpu.wait_dma2 semaphore(%run_scoped3A : memref<!tpu.dma_semaphore, #tpu.memory_space<semaphore_mem>>) src(%arg5 : memref<640x128xf32, #tpu.memory_space<hbm>>) dst(%dma_wait3A_26 : memref<640x128xf32, #tpu.memory_space<vmem_shared>>)
      tpu.yield
    }) : () -> ()
    "tpu.region"() ({
      %run_scoped3A = tpu.sem_alloc : memref<!tpu.dma_semaphore, #tpu.memory_space<semaphore_mem>>
      %dma_start3A = arith.constant 0 : i32
      %dma_start3A_25 = tpu.memref_slice %arg3[%select_n3A, %dma_start3A] : memref<2688x128xi32, #tpu.memory_space<hbm>> -> memref<128x128xi32, #tpu.memory_space<hbm>>
      %dma_start3A_26 = arith.constant 0 : i32
      %dma_start3A_27 = tpu.memref_slice %arg3[%select_n3A, %dma_start3A_26] : memref<2688x128xi32, #tpu.memory_space<hbm>> -> memref<128x128xi32, #tpu.memory_space<hbm>>
      tpu.enqueue_dma source(%dma_start3A_27 : memref<128x128xi32, #tpu.memory_space<hbm>>) target(%arg8 : memref<128x128xi32, #tpu.memory_space<vmem>>) target_semaphore(%run_scoped3A : memref<!tpu.dma_semaphore, #tpu.memory_space<semaphore_mem>>)
      %dma_wait3A = arith.constant 0 : i32
      %dma_wait3A_28 = tpu.memref_slice %arg3[%select_n3A, %dma_wait3A] : memref<2688x128xi32, #tpu.memory_space<hbm>> -> memref<128x128xi32, #tpu.memory_space<hbm>>
      %dma_wait3A_29 = arith.constant 0 : i32
      %dma_wait3A_30 = tpu.memref_slice %arg3[%select_n3A, %dma_wait3A_29] : memref<2688x128xi32, #tpu.memory_space<hbm>> -> memref<128x128xi32, #tpu.memory_space<hbm>>
      tpu.wait_dma2 semaphore(%run_scoped3A : memref<!tpu.dma_semaphore, #tpu.memory_space<semaphore_mem>>) src(%dma_wait3A_30 : memref<128x128xi32, #tpu.memory_space<hbm>>) dst(%arg8 : memref<128x128xi32, #tpu.memory_space<vmem>>)
      tpu.yield
    }) : () -> ()
    "tpu.region"() ({
      %run_scoped3A = tpu.sem_alloc : memref<!tpu.dma_semaphore, #tpu.memory_space<semaphore_mem>>
      %dma_start3A = arith.constant 0 : i32
      %dma_start3A_25 = tpu.memref_slice %arg4[%select_n3A, %dma_start3A] : memref<2688x128xi32, #tpu.memory_space<hbm>> -> memref<128x128xi32, #tpu.memory_space<hbm>>
      %dma_start3A_26 = arith.constant 0 : i32
      %dma_start3A_27 = tpu.memref_slice %arg4[%select_n3A, %dma_start3A_26] : memref<2688x128xi32, #tpu.memory_space<hbm>> -> memref<128x128xi32, #tpu.memory_space<hbm>>
      tpu.enqueue_dma source(%dma_start3A_27 : memref<128x128xi32, #tpu.memory_space<hbm>>) target(%arg9 : memref<128x128xi32, #tpu.memory_space<vmem>>) target_semaphore(%run_scoped3A : memref<!tpu.dma_semaphore, #tpu.memory_space<semaphore_mem>>)
      %dma_wait3A = arith.constant 0 : i32
      %dma_wait3A_28 = tpu.memref_slice %arg4[%select_n3A, %dma_wait3A] : memref<2688x128xi32, #tpu.memory_space<hbm>> -> memref<128x128xi32, #tpu.memory_space<hbm>>
      %dma_wait3A_29 = arith.constant 0 : i32
      %dma_wait3A_30 = tpu.memref_slice %arg4[%select_n3A, %dma_wait3A_29] : memref<2688x128xi32, #tpu.memory_space<hbm>> -> memref<128x128xi32, #tpu.memory_space<hbm>>
      tpu.wait_dma2 semaphore(%run_scoped3A : memref<!tpu.dma_semaphore, #tpu.memory_space<semaphore_mem>>) src(%dma_wait3A_30 : memref<128x128xi32, #tpu.memory_space<hbm>>) dst(%arg9 : memref<128x128xi32, #tpu.memory_space<vmem>>)
      tpu.yield
    }) : () -> ()
    %barrier3A = arith.constant 0 : index
    tpu.barrier barrier_id(%barrier3A)
    %while3A = arith.constant 0 : i32
    %while3A_11 = arith.constant 0 : i32
    %while3A_12 = arith.subi %select_n3A_8, %while3A_11 : i32
    %while3A_13 = arith.addi %while3A_11, %while3A_12 : i32
    %while3A_14 = arith.constant 1 : i32
    %while3A_15 = arith.divsi %while3A_12, %while3A_14 : i32
    %while3A_16 = arith.muli %while3A_15, %while3A_14 : i32
    %while3A_17 = arith.addi %while3A_11, %while3A_16 : i32
    %while3A_18 = arith.constant 1 : i32
    scf.for %while3A_25 = %while3A_11 to %while3A_17 step %while3A_18  : i32 {
      "tpu.region"() ({
        %run_scoped3A = tpu.sem_alloc : memref<!tpu.dma_semaphore, #tpu.memory_space<semaphore_mem>>
        %dma_start3A = arith.constant 0 : i32
        %dma_start3A_26 = tpu.memref_slice %arg8[%while3A_25, %dma_start3A] : memref<128x128xi32, #tpu.memory_space<vmem>> -> memref<1x128xi32, #tpu.memory_space<vmem>>
        %dma_start3A_27 = tpu.memref_squeeze %dma_start3A_26 : memref<1x128xi32, #tpu.memory_space<vmem>> -> memref<128xi32, #tpu.memory_space<vmem>>
        %dma_start3A_28 = arith.constant 0 : i32
        %dma_start3A_29 = arith.constant 0 : i32
        %dma_start3A_30 = tpu.memref_slice %arg2[%dma_start3A_28, %dma_start3A_29] : memref<10240x128xf32, #tpu.memory_space<hbm>> -> memref<10240x128xf32, #tpu.memory_space<hbm>>
        tpu.enqueue_indirect_dma source(%dma_start3A_30 : memref<10240x128xf32, #tpu.memory_space<hbm>>) target(%arg10 : memref<128x128xf32, #tpu.memory_space<vmem>>) offsets(%dma_start3A_27 : memref<128xi32, #tpu.memory_space<vmem>>) semaphore(%run_scoped3A : memref<!tpu.dma_semaphore, #tpu.memory_space<semaphore_mem>>)
        %dma_wait3A = arith.constant 0 : i32
        %dma_wait3A_31 = tpu.memref_slice %arg8[%while3A_25, %dma_wait3A] : memref<128x128xi32, #tpu.memory_space<vmem>> -> memref<1x128xi32, #tpu.memory_space<vmem>>
        %dma_wait3A_32 = tpu.memref_squeeze %dma_wait3A_31 : memref<1x128xi32, #tpu.memory_space<vmem>> -> memref<128xi32, #tpu.memory_space<vmem>>
        %dma_wait3A_33 = arith.constant 0 : i32
        %dma_wait3A_34 = arith.constant 0 : i32
        %dma_wait3A_35 = tpu.memref_slice %arg2[%dma_wait3A_33, %dma_wait3A_34] : memref<10240x128xf32, #tpu.memory_space<hbm>> -> memref<10240x128xf32, #tpu.memory_space<hbm>>
        tpu.wait_indirect_dma semaphore(%run_scoped3A : memref<!tpu.dma_semaphore, #tpu.memory_space<semaphore_mem>>) src(%dma_wait3A_35 : memref<10240x128xf32, #tpu.memory_space<hbm>>) dst(%arg10 : memref<128x128xf32, #tpu.memory_space<vmem>>)
        tpu.yield
      }) : () -> ()
      "tpu.region"() ({
        %run_scoped3A = tpu.sem_alloc : memref<!tpu.dma_semaphore, #tpu.memory_space<semaphore_mem>>
        %dma_start3A = arith.constant 0 : i32
        %dma_start3A_26 = tpu.memref_slice %arg9[%while3A_25, %dma_start3A] : memref<128x128xi32, #tpu.memory_space<vmem>> -> memref<1x128xi32, #tpu.memory_space<vmem>>
        %dma_start3A_27 = tpu.memref_squeeze %dma_start3A_26 : memref<1x128xi32, #tpu.memory_space<vmem>> -> memref<128xi32, #tpu.memory_space<vmem>>
        %dma_start3A_28 = arith.constant 0 : i32
        %dma_start3A_29 = arith.constant 0 : i32
        %dma_start3A_30 = tpu.memref_slice %arg7[%dma_start3A_28, %dma_start3A_29] : memref<10240x128xf32, #tpu.memory_space<vmem_shared>> -> memref<10240x128xf32, #tpu.memory_space<vmem_shared>>
        tpu.enqueue_indirect_dma source(%arg10 : memref<128x128xf32, #tpu.memory_space<vmem>>) target(%dma_start3A_30 : memref<10240x128xf32, #tpu.memory_space<vmem_shared>>) offsets(%dma_start3A_27 : memref<128xi32, #tpu.memory_space<vmem>>) semaphore(%run_scoped3A : memref<!tpu.dma_semaphore, #tpu.memory_space<semaphore_mem>>) {add = true}
        %dma_wait3A = arith.constant 0 : i32
        %dma_wait3A_31 = tpu.memref_slice %arg9[%while3A_25, %dma_wait3A] : memref<128x128xi32, #tpu.memory_space<vmem>> -> memref<1x128xi32, #tpu.memory_space<vmem>>
        %dma_wait3A_32 = tpu.memref_squeeze %dma_wait3A_31 : memref<1x128xi32, #tpu.memory_space<vmem>> -> memref<128xi32, #tpu.memory_space<vmem>>
        %dma_wait3A_33 = arith.constant 0 : i32
        %dma_wait3A_34 = arith.constant 0 : i32
        %dma_wait3A_35 = tpu.memref_slice %arg7[%dma_wait3A_33, %dma_wait3A_34] : memref<10240x128xf32, #tpu.memory_space<vmem_shared>> -> memref<10240x128xf32, #tpu.memory_space<vmem_shared>>
        tpu.wait_indirect_dma semaphore(%run_scoped3A : memref<!tpu.dma_semaphore, #tpu.memory_space<semaphore_mem>>) src(%arg10 : memref<128x128xf32, #tpu.memory_space<vmem>>) dst(%dma_wait3A_35 : memref<10240x128xf32, #tpu.memory_space<vmem_shared>>)
        tpu.yield
      }) : () -> ()
    }
    %while3A_19 = arith.constant 1 : i32
    scf.for %while3A_25 = %while3A_17 to %while3A_13 step %while3A_19  : i32 {
      "tpu.region"() ({
        %run_scoped3A = tpu.sem_alloc : memref<!tpu.dma_semaphore, #tpu.memory_space<semaphore_mem>>
        %dma_start3A = arith.constant 0 : i32
        %dma_start3A_26 = tpu.memref_slice %arg8[%while3A_25, %dma_start3A] : memref<128x128xi32, #tpu.memory_space<vmem>> -> memref<1x128xi32, #tpu.memory_space<vmem>>
        %dma_start3A_27 = tpu.memref_squeeze %dma_start3A_26 : memref<1x128xi32, #tpu.memory_space<vmem>> -> memref<128xi32, #tpu.memory_space<vmem>>
        %dma_start3A_28 = arith.constant 0 : i32
        %dma_start3A_29 = arith.constant 0 : i32
        %dma_start3A_30 = tpu.memref_slice %arg2[%dma_start3A_28, %dma_start3A_29] : memref<10240x128xf32, #tpu.memory_space<hbm>> -> memref<10240x128xf32, #tpu.memory_space<hbm>>
        tpu.enqueue_indirect_dma source(%dma_start3A_30 : memref<10240x128xf32, #tpu.memory_space<hbm>>) target(%arg10 : memref<128x128xf32, #tpu.memory_space<vmem>>) offsets(%dma_start3A_27 : memref<128xi32, #tpu.memory_space<vmem>>) semaphore(%run_scoped3A : memref<!tpu.dma_semaphore, #tpu.memory_space<semaphore_mem>>)
        %dma_wait3A = arith.constant 0 : i32
        %dma_wait3A_31 = tpu.memref_slice %arg8[%while3A_25, %dma_wait3A] : memref<128x128xi32, #tpu.memory_space<vmem>> -> memref<1x128xi32, #tpu.memory_space<vmem>>
        %dma_wait3A_32 = tpu.memref_squeeze %dma_wait3A_31 : memref<1x128xi32, #tpu.memory_space<vmem>> -> memref<128xi32, #tpu.memory_space<vmem>>
        %dma_wait3A_33 = arith.constant 0 : i32
        %dma_wait3A_34 = arith.constant 0 : i32
        %dma_wait3A_35 = tpu.memref_slice %arg2[%dma_wait3A_33, %dma_wait3A_34] : memref<10240x128xf32, #tpu.memory_space<hbm>> -> memref<10240x128xf32, #tpu.memory_space<hbm>>
        tpu.wait_indirect_dma semaphore(%run_scoped3A : memref<!tpu.dma_semaphore, #tpu.memory_space<semaphore_mem>>) src(%dma_wait3A_35 : memref<10240x128xf32, #tpu.memory_space<hbm>>) dst(%arg10 : memref<128x128xf32, #tpu.memory_space<vmem>>)
        tpu.yield
      }) : () -> ()
      "tpu.region"() ({
        %run_scoped3A = tpu.sem_alloc : memref<!tpu.dma_semaphore, #tpu.memory_space<semaphore_mem>>
        %dma_start3A = arith.constant 0 : i32
        %dma_start3A_26 = tpu.memref_slice %arg9[%while3A_25, %dma_start3A] : memref<128x128xi32, #tpu.memory_space<vmem>> -> memref<1x128xi32, #tpu.memory_space<vmem>>
        %dma_start3A_27 = tpu.memref_squeeze %dma_start3A_26 : memref<1x128xi32, #tpu.memory_space<vmem>> -> memref<128xi32, #tpu.memory_space<vmem>>
        %dma_start3A_28 = arith.constant 0 : i32
        %dma_start3A_29 = arith.constant 0 : i32
        %dma_start3A_30 = tpu.memref_slice %arg7[%dma_start3A_28, %dma_start3A_29] : memref<10240x128xf32, #tpu.memory_space<vmem_shared>> -> memref<10240x128xf32, #tpu.memory_space<vmem_shared>>
        tpu.enqueue_indirect_dma source(%arg10 : memref<128x128xf32, #tpu.memory_space<vmem>>) target(%dma_start3A_30 : memref<10240x128xf32, #tpu.memory_space<vmem_shared>>) offsets(%dma_start3A_27 : memref<128xi32, #tpu.memory_space<vmem>>) semaphore(%run_scoped3A : memref<!tpu.dma_semaphore, #tpu.memory_space<semaphore_mem>>) {add = true}
        %dma_wait3A = arith.constant 0 : i32
        %dma_wait3A_31 = tpu.memref_slice %arg9[%while3A_25, %dma_wait3A] : memref<128x128xi32, #tpu.memory_space<vmem>> -> memref<1x128xi32, #tpu.memory_space<vmem>>
        %dma_wait3A_32 = tpu.memref_squeeze %dma_wait3A_31 : memref<1x128xi32, #tpu.memory_space<vmem>> -> memref<128xi32, #tpu.memory_space<vmem>>
        %dma_wait3A_33 = arith.constant 0 : i32
        %dma_wait3A_34 = arith.constant 0 : i32
        %dma_wait3A_35 = tpu.memref_slice %arg7[%dma_wait3A_33, %dma_wait3A_34] : memref<10240x128xf32, #tpu.memory_space<vmem_shared>> -> memref<10240x128xf32, #tpu.memory_space<vmem_shared>>
        tpu.wait_indirect_dma semaphore(%run_scoped3A : memref<!tpu.dma_semaphore, #tpu.memory_space<semaphore_mem>>) src(%arg10 : memref<128x128xf32, #tpu.memory_space<vmem>>) dst(%dma_wait3A_35 : memref<10240x128xf32, #tpu.memory_space<vmem_shared>>)
        tpu.yield
      }) : () -> ()
    }
    %barrier3A_20 = arith.constant 0 : index
    tpu.barrier barrier_id(%barrier3A_20)
    %mul3A_21 = arith.constant 640 : i32
    %mul3A_22 = arith.muli %arg1, %mul3A_21 : i32
    %mul3A_23 = arith.constant 640 : i32
    %mul3A_24 = arith.muli %arg1, %mul3A_23 : i32
    "tpu.region"() ({
      %run_scoped3A = tpu.sem_alloc : memref<!tpu.dma_semaphore, #tpu.memory_space<semaphore_mem>>
      %dma_start3A = arith.constant 0 : i32
      %dma_start3A_25 = tpu.memref_slice %arg6[%arg0, %mul3A_24, %dma_start3A] : memref<2x10240x128xf32, #tpu.memory_space<hbm>> -> memref<1x640x128xf32, #tpu.memory_space<hbm>>
      %dma_start3A_26 = tpu.memref_squeeze %dma_start3A_25 : memref<1x640x128xf32, #tpu.memory_space<hbm>> -> memref<640x128xf32, #tpu.memory_space<hbm>>
      %dma_start3A_27 = arith.constant 0 : i32
      %dma_start3A_28 = tpu.memref_slice %arg7[%mul3A_22, %dma_start3A_27] : memref<10240x128xf32, #tpu.memory_space<vmem_shared>> -> memref<640x128xf32, #tpu.memory_space<vmem_shared>>
      tpu.enqueue_dma source(%dma_start3A_28 : memref<640x128xf32, #tpu.memory_space<vmem_shared>>) target(%dma_start3A_26 : memref<640x128xf32, #tpu.memory_space<hbm>>) target_semaphore(%run_scoped3A : memref<!tpu.dma_semaphore, #tpu.memory_space<semaphore_mem>>)
      %dma_wait3A = arith.constant 0 : i32
      %dma_wait3A_29 = tpu.memref_slice %arg6[%arg0, %mul3A_24, %dma_wait3A] : memref<2x10240x128xf32, #tpu.memory_space<hbm>> -> memref<1x640x128xf32, #tpu.memory_space<hbm>>
      %dma_wait3A_30 = tpu.memref_squeeze %dma_wait3A_29 : memref<1x640x128xf32, #tpu.memory_space<hbm>> -> memref<640x128xf32, #tpu.memory_space<hbm>>
      %dma_wait3A_31 = arith.constant 0 : i32
      %dma_wait3A_32 = tpu.memref_slice %arg7[%mul3A_22, %dma_wait3A_31] : memref<10240x128xf32, #tpu.memory_space<vmem_shared>> -> memref<640x128xf32, #tpu.memory_space<vmem_shared>>
      tpu.wait_dma2 semaphore(%run_scoped3A : memref<!tpu.dma_semaphore, #tpu.memory_space<semaphore_mem>>) src(%dma_wait3A_32 : memref<640x128xf32, #tpu.memory_space<vmem_shared>>) dst(%dma_wait3A_30 : memref<640x128xf32, #tpu.memory_space<hbm>>)
      tpu.yield
    }) : () -> ()
    return
  }
}

module attributes {stable_mosaic.version = 14 : i64} {
  func.func @body(%arg0: i32, %arg1: memref<256x128xf32, #tpu.memory_space<vmem>>, %arg2: memref<1x256x32xf32, #tpu.memory_space<vmem>>, %arg3: memref<256x128xf32, #tpu.memory_space<vmem>>) attributes {dimension_semantics = [#tpu.dimension_semantics<arbitrary>], iteration_bounds = array<i64: 40>, scalar_prefetch = 0 : i64, scratch_operands = 0 : i64, tpu.core_type = #tpu.core_type<tc>, window_params = [{transform_indices = @transform_0, window_bounds = array<i64: 256, 128>}, {transform_indices = @transform_1, window_bounds = array<i64: 1, 256, 32>}, {transform_indices = @transform_2, window_bounds = array<i64: 256, 128>}]} {
    %get3A = arith.constant 0 : index
    %get3A_0 = arith.constant 0 : index
    %get3A_1 = arith.constant 0 : index
    %get3A_2 = vector.load %arg2[%get3A, %get3A_0, %get3A_1] : memref<1x256x32xf32, #tpu.memory_space<vmem>>, vector<1x256x32xf32>
    %get3A_3 = vector.shape_cast %get3A_2 : vector<1x256x32xf32> to vector<256x32xf32>
    %reduce_sum3A = arith.constant dense<0.000000e+00> : vector<256xf32>
    %reduce_sum3A_4 = vector.multi_reduction <add>, %get3A_3, %reduce_sum3A [1] : vector<256x32xf32> to vector<256xf32>
    %broadcast_in_dim3A = vector.shape_cast %reduce_sum3A_4 : vector<256xf32> to vector<256x1xf32>
    %max3A = arith.constant 1.000000e+00 : f32
    %max3A_5 = vector.broadcast %max3A : f32 to vector<256x1xf32>
    %max3A_6 = arith.maximumf %broadcast_in_dim3A, %max3A_5 : vector<256x1xf32>
    %rsqrt3A = math.rsqrt %max3A_6 : vector<256x1xf32>
    %get3A_7 = arith.constant 0 : index
    %get3A_8 = arith.constant 0 : index
    %get3A_9 = vector.load %arg1[%get3A_7, %get3A_8] : memref<256x128xf32, #tpu.memory_space<vmem>>, vector<256x128xf32>
    %mul3A = vector.broadcast %rsqrt3A : vector<256x1xf32> to vector<256x128xf32>
    %mul3A_10 = arith.mulf %get3A_9, %mul3A : vector<256x128xf32>
    %swap3A = arith.constant 0 : index
    %swap3A_11 = arith.constant 0 : index
    %swap3A_12 = vector.load %arg3[%swap3A, %swap3A_11] : memref<256x128xf32, #tpu.memory_space<vmem>>, vector<256x128xf32>
    tpu.vector_store %arg3[%swap3A, %swap3A_11], %mul3A_10 {strides = array<i32>} : memref<256x128xf32, #tpu.memory_space<vmem>>, vector<256x128xf32>,
    return
  }
  func.func @transform_0(%arg0: i32) -> (i32, i32) {
    %c0_i32 = arith.constant 0 : i32
    %c0_i32_0 = arith.constant 0 : i32
    return %arg0, %c0_i32 : i32, i32
  }
  func.func @transform_1(%arg0: i32) -> (i32, i32, i32) {
    %c0_i32 = arith.constant 0 : i32
    %c0_i32_0 = arith.constant 0 : i32
    %c0_i32_1 = arith.constant 0 : i32
    return %c0_i32, %arg0, %c0_i32_0 : i32, i32, i32
  }
  func.func @transform_2(%arg0: i32) -> (i32, i32) {
    %c0_i32 = arith.constant 0 : i32
    %c0_i32_0 = arith.constant 0 : i32
    return %arg0, %c0_i32 : i32, i32
  }
}

module attributes {stable_mosaic.version = 14 : i64} {
  func.func @body(%arg0: i32, %arg1: memref<2x256x128xf32, #tpu.memory_space<vmem>>, %arg2: memref<1x256x32xf32, #tpu.memory_space<vmem>>, %arg3: memref<128x128xf32, #tpu.memory_space<vmem>>, %arg4: memref<1x128xf32, #tpu.memory_space<vmem>>, %arg5: memref<256x128xf32, #tpu.memory_space<vmem>>) attributes {dimension_semantics = [#tpu.dimension_semantics<arbitrary>], iteration_bounds = array<i64: 40>, scalar_prefetch = 0 : i64, scratch_operands = 0 : i64, tpu.core_type = #tpu.core_type<tc>, window_params = [{transform_indices = @transform_0, window_bounds = array<i64: 2, 256, 128>}, {transform_indices = @transform_1, window_bounds = array<i64: 1, 256, 32>}, {pipeline_mode = #tpu.pipeline_mode<synchronous>, transform_indices = @transform_2, window_bounds = array<i64: 128, 128>}, {pipeline_mode = #tpu.pipeline_mode<synchronous>, transform_indices = @transform_3, window_bounds = array<i64: 1, 128>}, {transform_indices = @transform_4, window_bounds = array<i64: 256, 128>}]} {
    %get3A = arith.constant 0 : index
    %get3A_0 = arith.constant 0 : index
    %get3A_1 = arith.constant 0 : index
    %get3A_2 = vector.load %arg1[%get3A, %get3A_0, %get3A_1] : memref<2x256x128xf32, #tpu.memory_space<vmem>>, vector<1x256x128xf32>
    %get3A_3 = vector.shape_cast %get3A_2 : vector<1x256x128xf32> to vector<256x128xf32>
    %get3A_4 = arith.constant 1 : index
    %get3A_5 = arith.constant 0 : index
    %get3A_6 = arith.constant 0 : index
    %get3A_7 = vector.load %arg1[%get3A_4, %get3A_5, %get3A_6] : memref<2x256x128xf32, #tpu.memory_space<vmem>>, vector<1x256x128xf32>
    %get3A_8 = vector.shape_cast %get3A_7 : vector<1x256x128xf32> to vector<256x128xf32>
    %add3A = arith.addf %get3A_3, %get3A_8 : vector<256x128xf32>
    %get3A_9 = arith.constant 0 : index
    %get3A_10 = arith.constant 0 : index
    %get3A_11 = arith.constant 0 : index
    %get3A_12 = vector.load %arg2[%get3A_9, %get3A_10, %get3A_11] : memref<1x256x32xf32, #tpu.memory_space<vmem>>, vector<1x256x32xf32>
    %get3A_13 = vector.shape_cast %get3A_12 : vector<1x256x32xf32> to vector<256x32xf32>
    %reduce_sum3A = arith.constant dense<0.000000e+00> : vector<256xf32>
    %reduce_sum3A_14 = vector.multi_reduction <add>, %get3A_13, %reduce_sum3A [1] : vector<256x32xf32> to vector<256xf32>
    %broadcast_in_dim3A = vector.shape_cast %reduce_sum3A_14 : vector<256xf32> to vector<256x1xf32>
    %max3A = arith.constant 1.000000e+00 : f32
    %max3A_15 = vector.broadcast %max3A : f32 to vector<256x1xf32>
    %max3A_16 = arith.maximumf %broadcast_in_dim3A, %max3A_15 : vector<256x1xf32>
    %rsqrt3A = math.rsqrt %max3A_16 : vector<256x1xf32>
    %mul3A = vector.broadcast %rsqrt3A : vector<256x1xf32> to vector<256x128xf32>
    %mul3A_17 = arith.mulf %add3A, %mul3A : vector<256x128xf32>
    %get3A_18 = arith.constant 0 : index
    %get3A_19 = arith.constant 0 : index
    %get3A_20 = vector.load %arg3[%get3A_18, %get3A_19] : memref<128x128xf32, #tpu.memory_space<vmem>>, vector<128x128xf32>
    %dot_general3A = arith.constant dense<0.000000e+00> : vector<256x128xf32>
    %dot_general3A_21 = tpu.matmul %mul3A_17, %get3A_20, %dot_general3A {dimension_numbers = #tpu.dot_dimension_numbers<[1], [0], [0], [1], [0, 0, 1, 1], [], []>, transpose_lhs_hint = false} : vector<256x128xf32>, vector<128x128xf32>, vector<256x128xf32> -> vector<256x128xf32>
    %get3A_22 = arith.constant 0 : index
    %get3A_23 = arith.constant 0 : index
    %get3A_24 = vector.load %arg4[%get3A_22, %get3A_23] : memref<1x128xf32, #tpu.memory_space<vmem>>, vector<1x128xf32>
    %add3A_25 = vector.broadcast %get3A_24 : vector<1x128xf32> to vector<256x128xf32>
    %add3A_26 = arith.addf %dot_general3A_21, %add3A_25 : vector<256x128xf32>
    %swap3A = arith.constant 0 : index
    %swap3A_27 = arith.constant 0 : index
    %swap3A_28 = vector.load %arg5[%swap3A, %swap3A_27] : memref<256x128xf32, #tpu.memory_space<vmem>>, vector<256x128xf32>
    tpu.vector_store %arg5[%swap3A, %swap3A_27], %add3A_26 {strides = array<i32>} : memref<256x128xf32, #tpu.memory_space<vmem>>, vector<256x128xf32>,
    return
  }
  func.func @transform_0(%arg0: i32) -> (i32, i32, i32) {
    %c0_i32 = arith.constant 0 : i32
    %c0_i32_0 = arith.constant 0 : i32
    %c0_i32_1 = arith.constant 0 : i32
    return %c0_i32, %arg0, %c0_i32_0 : i32, i32, i32
  }
  func.func @transform_1(%arg0: i32) -> (i32, i32, i32) {
    %c1_i32 = arith.constant 1 : i32
    %c0_i32 = arith.constant 0 : i32
    %c0_i32_0 = arith.constant 0 : i32
    return %c1_i32, %arg0, %c0_i32 : i32, i32, i32
  }
  func.func @transform_2(%arg0: i32) -> (i32, i32) {
    %c0_i32 = arith.constant 0 : i32
    %c0_i32_0 = arith.constant 0 : i32
    %c0_i32_1 = arith.constant 0 : i32
    return %c0_i32, %c0_i32_0 : i32, i32
  }
  func.func @transform_3(%arg0: i32) -> (i32, i32) {
    %c0_i32 = arith.constant 0 : i32
    %c0_i32_0 = arith.constant 0 : i32
    %c0_i32_1 = arith.constant 0 : i32
    return %c0_i32, %c0_i32_0 : i32, i32
  }
  func.func @transform_4(%arg0: i32) -> (i32, i32) {
    %c0_i32 = arith.constant 0 : i32
    %c0_i32_0 = arith.constant 0 : i32
    return %arg0, %c0_i32 : i32, i32
  }
}

</mosaic_0001>

<sc_bundles>
// kernel: kernel.6.cloned.1.call-start
scs
__scs_entry_jumppad:
0x0: {  	(pc) =	sbr.rel $0x88, $3  }
0x1: {  	(tag) =	ssettag $0x0;
	lr =	simm.s32 $0x1  }
0x2: {  	[smem:$0x3F9D] =	sst lr;
	_ =	strace $0xD0000000  }
0x3: {  	_ = 	snop  }
0x4: {  	_ = 	snop  }
0x5: {  	_ = 	snop  }
0x6: {  	_ = 	snop  }
0x7: {  	_ = 	snop  }
__scs_overlays_trampoline_lowered:
0x8: {  	[smem:$0x3FAC] =	sst s0  }
0x9: {  	[smem:$0x3FAD] =	sst s1  }
0xa: {  	[smem:$0x3FAE] =	sst s2  }
0xb: {  	[smem:$0x3FAF] =	sst s3  }
0xc: {  	[smem:$0x3FB0] =	sst s4  }
0xd: {  	[smem:$0x3FB1] =	sst s5  }
0xe: {  	[smem:$0x3FB2] =	sst s6  }
0xf: {  	[smem:$0x3FB3] =	sst s7  }
0x10: {  	[smem:$0x3FB4] =	sst s8  }
0x11: {  	[smem:$0x3FB5] =	sst s9;
	s0 =	simm.s32 @!p0 $0x0  }
0x12: {  	s1 =	sld [smem:$0x3F9B];
	s0 =	simm.s32 @p0 $0x1  }
0x13: {  	[smem:$0x3FB6] =	sst s0;
	s0 =	simm.s32 @!p1 $0x0  }
0x14: {  	s2 =	sld [smem:$0x3F9A];
	s0 =	simm.s32 @p1 $0x1  }
0x15: {  	[smem:$0x3FB7] =	sst s0;
	s0 =	simm.s32 @!p2 $0x0  }
0x16: {  	s3 =	sld [smem:$0x3FDB];
	s0 =	simm.s32 @p2 $0x1  }
0x17: {  	s4 =	simm.s32 $0x1BF5;
	[smem:$0x3FB9] =	sst s0  }
0x18: {  	s0 =	sld [smem:$0x3F9C];
	_ =	swait.ge [sflag:s4], $0x0  }
0x19: {  	s7 =	sld [smem:$0x3F9D]  }
0x1a: {  	s8 =	sadd.s32 $0xFFFFE003, lr  }
0x1b: {  	s9 =	sadd.s32 $0xFFFFFEF7, lr;
	s5 =	simm.s32 $0xFFFFFFFF;
	p2 =	slt.u32 s8, $0xFFFFF086  }
0x1c: {  	p1 =	slt.u32 s9, $0xF7A;
	s5 =	simm.s32 @!p2 $0x0  }
0x1d: {  	s5 =	simm.s32 @p1 $0x1;
	p0 =	seq.s32 s7, s2  }
0x1e: {  	s7 =	smul.u32 @!p0 $0xF7A, s2;
	p2 =	seq.s32 @!p0 s5, $0x0  }
0x1f: {  	s9 =	smul.u32 $0xF7A, s1;
	s8 =	simm.s32 @!p0 $0x1BF5;
	p2 =	por !p2, p0  }
0x20: {  	[sflag:s8] =	ssyncset.s32 @!p0 $0xFFFFF086;
	s6 =	sadd.s32 @!p0 s3, s7;
	s7 =	simm.s32 @!p0 $0x108  }
0x21: {  	s3 =	sadd.s32 s3, s9;
	s6 =	sadd.s32 @!p0 $0x88, s6;
	s7 =	simm.s32 @p2 $0x1082  }
0x22: {  	[simem:s7], [sflag:s8] =	dma.local @!p0 [hbm:s6], $0xF7A  }
0x23: {  	s9 =	sor.u32 $0xD0000000, s2;
	s6 =	simm.s32 $0x108;
	_ =	swait.ge @!p0 [sflag:s8], $0x0  }
0x24: {  	s3 =	sadd.s32 $0x88, s3;
	s6 =	simm.s32 @!p1 $0x1082;
	[sflag:s4] =	ssyncset.s32 $0xFFFFF086  }
0x25: {  	[simem:s6], [sflag:s4] =	dma.local [hbm:s3], $0xF7A  }
0x26: {  	[smem:$0x3F9D] =	sst s1;
	(tag) =	ssettag s2;
	_ =	strace s9  }
0x27: {  	s1 =	sld [smem:$0x3FAD]  }
0x28: {  	s2 =	sld [smem:$0x3FAE]  }
0x29: {  	s4 =	sld [smem:$0x3FB0]  }
0x2a: {  	p0 =	seq.s32 s5, $0x0;
	s5 =	sld [smem:$0x3FB1]  }
0x2b: {  	s6 =	sld [smem:$0x3FB2]  }
0x2c: {  	s7 =	sld [smem:$0x3FB3]  }
0x2d: {  	s3 =	simm.s32 $0x108;
	s8 =	sld [smem:$0x3FB4]  }
0x2e: {  	s3 =	simm.s32 @!p0 $0x1082;
	s9 =	sld [smem:$0x3FB5]  }
0x2f: {  	lr =	sadd.s32 s0, s3;
	s0 =	sld [smem:$0x3FAC]  }
0x30: {  	s3 =	sld [smem:$0x3FAF]  }
0x31: {  	[smem:$0x3FB8] =	sst s10  }
0x32: {  	s10 =	sld [smem:$0x3FB6];
	_ =	sdelay $0x3  }
0x33: {  	p0 =	seq.s32 s10, $0x1;
	s10 =	sld [smem:$0x3FB8];
	_ =	sdelay $0x3  }
0x34: {  	[smem:$0x3FB8] =	sst s10  }
0x35: {  	s10 =	sld [smem:$0x3FB7];
	_ =	sdelay $0x3  }
0x36: {  	p1 =	seq.s32 s10, $0x1;
	s10 =	sld [smem:$0x3FB8];
	_ =	sdelay $0x3  }
0x37: {  	[smem:$0x3FB8] =	sst s10  }
0x38: {  	s10 =	sld [smem:$0x3FB9]  }
0x39: {  	_ = 	snop;
	(pc) =	sbr.ind lr, $3  }
0x3a: {  	_ = 	snop  }
0x3b: {  	_ = 	snop  }
0x3c: {  	p2 =	seq.s32 s10, $0x1;
	s10 =	sld [smem:$0x3FB8]  }
0x3d: {  	_ =	shalt  }
0x3e: {  	_ =	shalt  }
0x3f: {  	_ =	shalt  }
0x40: {  	_ =	shalt  }
0x41: {  	_ =	shalt  }
0x42: {  	_ =	shalt  }
0x43: {  	_ =	shalt  }
0x44: {  	_ =	shalt  }
0x45: {  	_ =	shalt  }
0x46: {  	_ =	shalt  }
0x47: {  	_ =	shalt  }
0x48: {  	_ =	shalt  }
0x49: {  	_ =	shalt  }
0x4a: {  	_ =	shalt  }
0x4b: {  	_ =	shalt  }
0x4c: {  	_ =	shalt  }
0x4d: {  	_ =	shalt  }
0x4e: {  	_ =	shalt  }
0x4f: {  	_ =	shalt  }
0x50: {  	_ =	shalt  }
0x51: {  	_ =	shalt  }
0x52: {  	_ =	shalt  }
0x53: {  	_ =	shalt  }
0x54: {  	_ =	shalt  }
0x55: {  	_ =	shalt  }
0x56: {  	_ =	shalt  }
0x57: {  	_ =	shalt  }
0x58: {  	_ =	shalt  }
0x59: {  	_ =	shalt  }
0x5a: {  	_ =	shalt  }
0x5b: {  	_ =	shalt  }
0x5c: {  	_ =	shalt  }
0x5d: {  	_ =	shalt  }
0x5e: {  	_ =	shalt  }
0x5f: {  	_ =	shalt  }
0x60: {  	_ =	shalt  }
0x61: {  	_ =	shalt  }
0x62: {  	_ =	shalt  }
0x63: {  	_ =	shalt  }
0x64: {  	_ =	shalt  }
0x65: {  	_ =	shalt  }
0x66: {  	_ =	shalt  }
0x67: {  	_ =	shalt  }
0x68: {  	_ =	shalt  }
0x69: {  	_ =	shalt  }
0x6a: {  	_ =	shalt  }
0x6b: {  	_ =	shalt  }
0x6c: {  	_ =	shalt  }
0x6d: {  	_ =	shalt  }
0x6e: {  	_ =	shalt  }
0x6f: {  	_ =	shalt  }
0x70: {  	_ =	shalt  }
0x71: {  	_ =	shalt  }
0x72: {  	_ =	shalt  }
0x73: {  	_ =	shalt  }
0x74: {  	_ =	shalt  }
0x75: {  	_ =	shalt  }
0x76: {  	_ =	shalt  }
0x77: {  	_ =	shalt  }
0x78: {  	_ =	shalt  }
0x79: {  	_ =	shalt  }
0x7a: {  	_ =	shalt  }
0x7b: {  	_ =	shalt  }
0x7c: {  	_ =	shalt  }
0x7d: {  	_ =	shalt  }
0x7e: {  	_ =	shalt  }
0x7f: {  	_ =	shalt  }
0x80: {  	_ =	shalt  }
0x81: {  	_ =	shalt  }
0x82: {  	_ =	shalt  }
0x83: {  	_ =	shalt  }
0x84: {  	_ =	shalt  }
0x85: {  	_ =	shalt  }
0x86: {  	_ =	shalt  }
0x87: {  	_ =	shalt  }
.Lfunc_end0:
.L_simem_size_0:
called_computation_lowered:
.L_overlay_start_0:
0x88: {  	s2 =	sld [smem:$0x3FD9]  }
0x89: {  	s3 =	sld [smem:$0x3FFE];
	_ =	sdelay $0x1  }
0x8a: {  	s1 =	srdreg.scid  }
0x8b: {  	s0 =	sand.u32 $0x1, s1  }
0x8c: {  	s17 =	sshll.u32 s0, $0xA;
	s2 =	sadd.s32 s3, s2  }
0x8d: {  	s2 =	sadd.s32 s2, s17  }
0x8e: {  	[smem:$0x3FC4] =	sst s2  }
0x8f: {  	_ = 	snop  }
0x90: {  	s2 =	sld [smem:$0x3FD0];
	(tm) =	ssettm $0x1  }
0x91: {  	s18 =	sld [smem:$0x3FFB];
	_ =	sdelay $0x3  }
0x92: {  	_ =	strace s18  }
0x93: {  	s3 =	sld [smem:$0x3FFC];
	_ =	sdelay $0x3  }
0x94: {  	_ =	strace s3  }
0x95: {  	s3 =	sld [smem:$0x3FFD];
	_ =	sdelay $0x3  }
0x96: {  	_ =	strace s3  }
0x97: {  	_ =	strace $0x8FFFFFFF  }
0x98: {  	s19 =	sld [smem:$0x3FDB];
	_ =	sdelay $0x1  }
0x99: {  	s4 =	simm.s32 $_scs_section_size  }
0x9a: {  	s5 =	simm.s32 $_size__tile_overlayer_lowered;
	s6 =	simm.s32 $_tile_overlayer_lowered  }
0x9b: {  	s22 =	simm.s32 $0x1BFF;
	s21 =	sshll.u32 s6, $0x1;
	s3 =	sadd.s32 s4, s19  }
0x9c: {  	s7 =	simm.s32 $0x0;
	s20 =	sshll.u32 s5, $0x1;
	s5 =	sadd.s32 s21, s3  }
0x9d: {  	[timem:s7], [sflag:s22] =	dma.local [hbm:s5], s20  }
0x9e: {  	_ =	swait.ge [sflag:s22], s20  }
0x9f: {  	s4 =	ssub.s32 $0x0, s20;
	[sflag:s22] =	ssyncset.done $0x0  }
0xa0: {  	[sflag:s22] =	ssyncadd.s32 s4;
	_ =	sdelay $0x1  }
0xa1: {  	s23 =	simm.s32 $0x1B8B  }
0xa2: {  	_ =	swait.ge [sflag:s23], $0x1  }
0xa3: {  	[sflag:s23] =	ssyncset.done $0x0  }
0xa4: {  	s25 =	simm.s32 $0x1B8E;
	s24 =	sld [smem:$0x3FFE];
	[sflag:s23] =	ssyncadd.s32 $0xFFFFFFFF  }
0xa5: {  	s26 =	simm.s32 $execute0_lowered;
	[smem:$0x3FD2] =	sst s25  }
0xa6: {  	s5 =	sshll.u32 s26, $0x1;
	_ =	strace $0x80000046;
	[dreg:$0x1] =	wrdreg $0xFFFFFFFF  }
0xa7: {  	s28 =	simm.s32 $_size_execute0_lowered;
	s3 =	sadd.s32 s3, s5;
	[dreg:$0x0] =	wrdreg $0x0  }
0xa8: {  	s5 =	sshll.u32 s28, $0x1;
	[dreg:$0x2] =	wrdreg s3  }
0xa9: {  	[dreg:$0x3] =	wrdreg s5  }
0xaa: {  	[dreg:$0x4] =	wrdreg $0xC0  }
0xab: {  	_ =	task [dreg:s7], $0x5FFFF  }
0xac: {  	[dreg:$0x1] =	wrdreg $0xFFFFFFFF  }
0xad: {  	[dreg:$0x0] =	wrdreg $0x60  }
0xae: {  	[dreg:$0x2] =	wrdreg s24  }
0xaf: {  	[dreg:$0x3] =	wrdreg s2  }
0xb0: {  	[dreg:$0x4] =	wrdreg $0x9  }
0xb1: {  	_ =	task.clear_ibuf [dreg:s7], $0x5FFFF;
	_ =	strace $0x90000046  }
0xb2: {  	s29 =	simm.s32 $0x9;
	_ =	strace $0x80000048  }
0xb3: {  	_ =	swait.ge [sflag:s29], $0x1  }
0xb4: {  	[sflag:s29] =	ssyncadd.s32 $0xFFFFFFFF  }
0xb5: {  	_ =	strace $0x90000048  }
0xb6: {  	_ =	sfence  }
0xb7: {  	s30 =	sld [smem:$0x0];
	_ =	sdelay $0x2  }
0xb8: {  	s31 =	sshll.u32 s1, $0xD;
	s1 =	sshrl.u32 s1, $0x2  }
0xb9: {  	s3 =	sand.u32 $0x4000, s31;
	s1 =	sadd.s32 s1, s30  }
0xba: {  	s0 =	sor.u32 s3, s0;
	s1 =	sshll.u32 s1, $0x11  }
0xbb: {  	s0 =	sor.u32 s1, s0  }
0xbc: {  	s0 =	sadd.s32 $0x8F2B, s0  }
0xbd: {  	[sflag:s0] =	ssyncadd.remote.s32 $0x1  }
0xbe: {  	_ =	sfence.sel $0xFFFF  }
0xbf: {  	[dreg:$0x0] =	wrdreg $0xFFFFFFFF;
	(pc) =	sbr.abs _section_cstart, $3  }
0xc0: {  	[dreg:$0x1] =	wrdreg $0xFFFFFFFF  }
0xc1: {  	_ =	task.clear_ibuf [dreg:s7], $0x2FFFF;
	_ =	strace $0x9FFFFFFF  }
0xc2: {  	(tm) =	ssettm $0x7FFFFFFF  }
0xc3: {  	_ =	shalt  }
tec
execute0_lowered:
.L_overlay_start_1:
0x0: {  	(tag) =	ssettag $0x1  }
0x1: {  	s1 =	srdreg.scid;
	s0 =	stileid.u32  }
0x2: {  	s3 =	rddreg [dreg:$0x0];
	s4 =	sand.u32 $0x1, s1;
	s30 =	sshll.u32 s0, $0x1  }
0x3: {  	s5 =	rddreg [dreg:$0x1];
	s2 =	simm.s32 $0x0;
	s6 =	sor.u32 s4, s30  }
0x4: {  	s10 =	simm.s32 $0x5000;
	s11 =	simm.s32 $0x7800;
	s7 =	smul.u32 $0x500, s6  }
0x5: {  	s12 =	simm.s32 $0x0;
	[smem:$0x7FF] =	sst s2;
	s6 =	smul.u32 $0x2800, s6  }
0x6: {  	s1 =	rddreg [dreg:$0x2];
	_ =	strace $0x80000047;
	s4 =	ssub.s32 $0x2, s4  }
0x7: {  	s31 =	sshrl.u32 s4, $0x1;
	s8 =	sadd.s32 s7, s3;
	s6 =	sshrl.u32 s6, $0x3  }
0x8: {  	s9 =	ssub.s32 s4, s31;
	s3 =	sadd.s32 $0xB800, s8;
	s6 =	sadd.s32 s5, s6  }
0x9: {  	s4 =	sadd.s32 $0x1800, s8;
	s5 =	sadd.s32 s5, s7;
	s7 =	smax.u32 s9, $0x1  }
0xa: {  	v0 =	vimm.f32 $0.0e+00;
	v1 =	vimm.f32 $1.000000000e+00;
	s8 =	simm.s32 $0x1;
	s9 =	simm.s32 $0x2800;
	s6 =	sadd.s32 $0xA000, s6  }
.LBB2_1:
0xb: {  	[tilespmem:s2], [sflag:$0x1] =	stream.linear.gather [hbm4b:s3+s2], $0x2800, $0x38;
	[tilespmem:$0xA000] =	vst v63  }
0xc: {  	_ =	swait.ge [sflag:s8], $0x2800  }
0xd: {  	[sflag:s8] =	ssyncset.done $0x0  }
0xe: {  	[sflag:s8] =	ssyncadd.s32 $0xFFFFD800  }
0xf: {  	[tilespmem:s9], [sflag:$0x1] =	stream.linear.gather [hbm4b:s4+s2], $0x2800, $0x38;
	[tilespmem:$0xA000] =	vst v63  }
0x10: {  	_ =	swait.ge [sflag:s8], $0x2800  }
0x11: {  	[sflag:s8] =	ssyncset.done $0x0  }
0x12: {  	s13 =	simm.s32 $0x0;
	[sflag:s8] =	ssyncadd.s32 $0xFFFFD800  }
.LBB2_2:
0x13: {  	p0 =	sne.s32 s13, $0x9FC0  }
.Ltmp0:
0x14: {  	_ = 	snop;
	(pc) =	sbr.rel @p0 .LBB2_2-.Ltmp0, $4  }
0x15: {  	_ = 	snop  }
0x16: {  	s14 =	sshra.s32 s13, $0x2  }
0x17: {  	[tilespmem:s14+$0x5000] =	vst v0  }
0x18: {  	s13 =	sadd.s32 $0x40, s13;
	[tilespmem:s14+$0x7800] =	vst v0  }
0x19: {  	s13 =	simm.s32 $0x0  }
.LBB2_4:
0x1a: {  	s14 =	sshra.s32 s13, $0x2  }
0x1b: {  	v2 =	vld [tilespmem:s14+$0x0];
	_ =	sdelay $0x7  }
0x1c: {  	[tilespmem:v2+s10+$0x0] =	vst.idx.add.f32.msk $0xffff, v1  }
0x1d: {  	v2 =	vld [tilespmem:s14+$0x10];
	_ =	sdelay $0x7  }
0x1e: {  	[tilespmem:v2+s10+$0x0] =	vst.idx.add.f32.msk $0xffff, v1  }
0x1f: {  	v2 =	vld [tilespmem:s14+$0x20];
	_ =	sdelay $0x7  }
0x20: {  	[tilespmem:v2+s10+$0x0] =	vst.idx.add.f32.msk $0xffff, v1  }
0x21: {  	v2 =	vld [tilespmem:s14+$0x30];
	_ =	sdelay $0x7  }
0x22: {  	[tilespmem:v2+s10+$0x0] =	vst.idx.add.f32.msk $0xffff, v1  }
0x23: {  	v2 =	vld [tilespmem:s14+$0x40];
	_ =	sdelay $0x7  }
0x24: {  	[tilespmem:v2+s10+$0x0] =	vst.idx.add.f32.msk $0xffff, v1  }
0x25: {  	v2 =	vld [tilespmem:s14+$0x50];
	_ =	sdelay $0x7  }
0x26: {  	[tilespmem:v2+s10+$0x0] =	vst.idx.add.f32.msk $0xffff, v1  }
0x27: {  	v2 =	vld [tilespmem:s14+$0x60];
	_ =	sdelay $0x7  }
0x28: {  	[tilespmem:v2+s10+$0x0] =	vst.idx.add.f32.msk $0xffff, v1  }
0x29: {  	v2 =	vld [tilespmem:s14+$0x70];
	_ =	sdelay $0x7  }
0x2a: {  	[tilespmem:v2+s10+$0x0] =	vst.idx.add.f32.msk $0xffff, v1  }
0x2b: {  	v2 =	vld [tilespmem:s14+$0x2800];
	_ =	sdelay $0x7  }
0x2c: {  	[tilespmem:v2+s11+$0x0] =	vst.idx.add.f32.msk $0xffff, v1  }
0x2d: {  	v2 =	vld [tilespmem:s14+$0x2810];
	_ =	sdelay $0x7  }
0x2e: {  	[tilespmem:v2+s11+$0x0] =	vst.idx.add.f32.msk $0xffff, v1  }
0x2f: {  	v2 =	vld [tilespmem:s14+$0x2820];
	_ =	sdelay $0x7  }
0x30: {  	[tilespmem:v2+s11+$0x0] =	vst.idx.add.f32.msk $0xffff, v1  }
0x31: {  	v2 =	vld [tilespmem:s14+$0x2830];
	_ =	sdelay $0x7  }
0x32: {  	[tilespmem:v2+s11+$0x0] =	vst.idx.add.f32.msk $0xffff, v1  }
0x33: {  	v2 =	vld [tilespmem:s14+$0x2840];
	_ =	sdelay $0x7  }
0x34: {  	[tilespmem:v2+s11+$0x0] =	vst.idx.add.f32.msk $0xffff, v1  }
0x35: {  	v2 =	vld [tilespmem:s14+$0x2850];
	_ =	sdelay $0x7  }
0x36: {  	[tilespmem:v2+s11+$0x0] =	vst.idx.add.f32.msk $0xffff, v1  }
0x37: {  	v2 =	vld [tilespmem:s14+$0x2860];
	_ =	sdelay $0x7  }
0x38: {  	[tilespmem:v2+s11+$0x0] =	vst.idx.add.f32.msk $0xffff, v1  }
0x39: {  	v2 =	vld [tilespmem:s14+$0x2870];
	_ =	sdelay $0x2  }
0x3a: {  	p0 =	sne.s32 s13, $0x9E00  }
.Ltmp1:
0x3b: {  	_ = 	snop;
	(pc) =	sbr.rel @p0 .LBB2_4-.Ltmp1, $2  }
0x3c: {  	_ =	sdelay $0x2  }
0x3d: {  	s13 =	sadd.s32 $0x200, s13;
	[tilespmem:v2+s11+$0x0] =	vst.idx.add.f32.msk $0xffff, v1  }
0x3e: {  	[hbm4b:s5+s2] =	stream.linear.scatter [tilespmem:s10], [sflag:$0x1], $0x2800, $0x38;
	[tilespmem:$0xA000] =	vst v63  }
0x3f: {  	s12 =	sadd.s32 $0x1, s12;
	_ =	swait.ge [sflag:s8], $0x2800  }
0x40: {  	p0 =	sne.s32 s12, s7;
	[sflag:s8] =	ssyncset.done $0x0  }
.Ltmp2:
0x41: {  	[sflag:s8] =	ssyncadd.s32 $0xFFFFD800;
	(pc) =	sbr.rel @p0 .LBB2_1-.Ltmp2, $4  }
0x42: {  	[hbm4b:s6+s2] =	stream.linear.scatter [tilespmem:s11], [sflag:$0x1], $0x2800, $0x38;
	[tilespmem:$0xA000] =	vst v63  }
0x43: {  	_ =	swait.ge [sflag:s8], $0x2800  }
0x44: {  	[sflag:s8] =	ssyncset.done $0x0  }
0x45: {  	[sflag:s8] =	ssyncadd.s32 $0xFFFFD800  }
0x46: {  	_ =	sfence.sel $0x180000  }
0x47: {  	[bflag:$0x0] =	sbarrier.arrive $0xFFFF  }
0x48: {  	p0 =	sne.s32 s0, $0x0;
	_ =	strace $0x90000047  }
0x49: {  	s0 =	sadd.s32 @!p0 $0x100000, s1;
	[bflag:$0x2] =	sbarrier.arrive $0xFFFF  }
0x4a: {  	[sflag:s0] =	ssyncadd.tile.s32 @!p0 $0x1;
	_ =	shalt  }
.Lfunc_end2:
_tile_overlayer_lowered:
.L_overlay_start_2:
0x4b: {  	(tag) =	ssettag $0x2  }
0x4c: {  	s0 =	rddreg [dreg:$0x0];
	s2 =	stileid.u32  }
0x4d: {  	s1 =	rddreg [dreg:$0x1];
	p0 =	sne.s32 s2, $0x0  }
0x4e: {  	s3 =	rddreg [dreg:$0x2];
	[bflag:$0x3] =	sbarrier.arrive $0xFFFF;
	s2 =	simm.s32 @!p0 $0x1C01  }
0x4f: {  	[timem:s3], [sflag:s2] =	dma.local @!p0 [hbm:s0], s1  }
0x50: {  	s0 =	simm.s32 @!p0 $0x1  }
0x51: {  	_ =	swait.ge @!p0 [sflag:s0], s1  }
0x52: {  	s1 =	ssub.s32 @!p0 $0x0, s1;
	[sflag:s0] =	ssyncset.done @!p0 $0x0  }
0x53: {  	[sflag:s0] =	ssyncadd.s32 @!p0 s1  }
0x54: {  	[bflag:$0x3] =	sbarrier.arrive $0xFFFF  }
0x55: {  	_ =	shalt  }

// kernel: kernel.9.cloned.1.call-start
scs
__scs_entry_jumppad:
0x0: {  	(pc) =	sbr.rel $0x88, $3  }
0x1: {  	(tag) =	ssettag $0x0;
	lr =	simm.s32 $0x1  }
0x2: {  	[smem:$0x3F9D] =	sst lr;
	_ =	strace $0xD0000000  }
0x3: {  	_ = 	snop  }
0x4: {  	_ = 	snop  }
0x5: {  	_ = 	snop  }
0x6: {  	_ = 	snop  }
0x7: {  	_ = 	snop  }
__scs_overlays_trampoline_lowered:
0x8: {  	[smem:$0x3FAC] =	sst s0  }
0x9: {  	[smem:$0x3FAD] =	sst s1  }
0xa: {  	[smem:$0x3FAE] =	sst s2  }
0xb: {  	[smem:$0x3FAF] =	sst s3  }
0xc: {  	[smem:$0x3FB0] =	sst s4  }
0xd: {  	[smem:$0x3FB1] =	sst s5  }
0xe: {  	[smem:$0x3FB2] =	sst s6  }
0xf: {  	[smem:$0x3FB3] =	sst s7  }
0x10: {  	[smem:$0x3FB4] =	sst s8  }
0x11: {  	[smem:$0x3FB5] =	sst s9;
	s0 =	simm.s32 @!p0 $0x0  }
0x12: {  	s1 =	sld [smem:$0x3F9B];
	s0 =	simm.s32 @p0 $0x1  }
0x13: {  	[smem:$0x3FB6] =	sst s0;
	s0 =	simm.s32 @!p1 $0x0  }
0x14: {  	s2 =	sld [smem:$0x3F9A];
	s0 =	simm.s32 @p1 $0x1  }
0x15: {  	[smem:$0x3FB7] =	sst s0;
	s0 =	simm.s32 @!p2 $0x0  }
0x16: {  	s3 =	sld [smem:$0x3FDB];
	s0 =	simm.s32 @p2 $0x1  }
0x17: {  	s4 =	simm.s32 $0x1BF5;
	[smem:$0x3FB9] =	sst s0  }
0x18: {  	s0 =	sld [smem:$0x3F9C];
	_ =	swait.ge [sflag:s4], $0x0  }
0x19: {  	s7 =	sld [smem:$0x3F9D]  }
0x1a: {  	s8 =	sadd.s32 $0xFFFFE003, lr  }
0x1b: {  	s9 =	sadd.s32 $0xFFFFFEF7, lr;
	s5 =	simm.s32 $0xFFFFFFFF;
	p2 =	slt.u32 s8, $0xFFFFF086  }
0x1c: {  	p1 =	slt.u32 s9, $0xF7A;
	s5 =	simm.s32 @!p2 $0x0  }
0x1d: {  	s5 =	simm.s32 @p1 $0x1;
	p0 =	seq.s32 s7, s2  }
0x1e: {  	s7 =	smul.u32 @!p0 $0xF7A, s2;
	p2 =	seq.s32 @!p0 s5, $0x0  }
0x1f: {  	s9 =	smul.u32 $0xF7A, s1;
	s8 =	simm.s32 @!p0 $0x1BF5;
	p2 =	por !p2, p0  }
0x20: {  	[sflag:s8] =	ssyncset.s32 @!p0 $0xFFFFF086;
	s6 =	sadd.s32 @!p0 s3, s7;
	s7 =	simm.s32 @!p0 $0x108  }
0x21: {  	s3 =	sadd.s32 s3, s9;
	s6 =	sadd.s32 @!p0 $0x88, s6;
	s7 =	simm.s32 @p2 $0x1082  }
0x22: {  	[simem:s7], [sflag:s8] =	dma.local @!p0 [hbm:s6], $0xF7A  }
0x23: {  	s9 =	sor.u32 $0xD0000000, s2;
	s6 =	simm.s32 $0x108;
	_ =	swait.ge @!p0 [sflag:s8], $0x0  }
0x24: {  	s3 =	sadd.s32 $0x88, s3;
	s6 =	simm.s32 @!p1 $0x1082;
	[sflag:s4] =	ssyncset.s32 $0xFFFFF086  }
0x25: {  	[simem:s6], [sflag:s4] =	dma.local [hbm:s3], $0xF7A  }
0x26: {  	[smem:$0x3F9D] =	sst s1;
	(tag) =	ssettag s2;
	_ =	strace s9  }
0x27: {  	s1 =	sld [smem:$0x3FAD]  }
0x28: {  	s2 =	sld [smem:$0x3FAE]  }
0x29: {  	s4 =	sld [smem:$0x3FB0]  }
0x2a: {  	p0 =	seq.s32 s5, $0x0;
	s5 =	sld [smem:$0x3FB1]  }
0x2b: {  	s6 =	sld [smem:$0x3FB2]  }
0x2c: {  	s7 =	sld [smem:$0x3FB3]  }
0x2d: {  	s3 =	simm.s32 $0x108;
	s8 =	sld [smem:$0x3FB4]  }
0x2e: {  	s3 =	simm.s32 @!p0 $0x1082;
	s9 =	sld [smem:$0x3FB5]  }
0x2f: {  	lr =	sadd.s32 s0, s3;
	s0 =	sld [smem:$0x3FAC]  }
0x30: {  	s3 =	sld [smem:$0x3FAF]  }
0x31: {  	[smem:$0x3FB8] =	sst s10  }
0x32: {  	s10 =	sld [smem:$0x3FB6];
	_ =	sdelay $0x3  }
0x33: {  	p0 =	seq.s32 s10, $0x1;
	s10 =	sld [smem:$0x3FB8];
	_ =	sdelay $0x3  }
0x34: {  	[smem:$0x3FB8] =	sst s10  }
0x35: {  	s10 =	sld [smem:$0x3FB7];
	_ =	sdelay $0x3  }
0x36: {  	p1 =	seq.s32 s10, $0x1;
	s10 =	sld [smem:$0x3FB8];
	_ =	sdelay $0x3  }
0x37: {  	[smem:$0x3FB8] =	sst s10  }
0x38: {  	s10 =	sld [smem:$0x3FB9]  }
0x39: {  	_ = 	snop;
	(pc) =	sbr.ind lr, $3  }
0x3a: {  	_ = 	snop  }
0x3b: {  	_ = 	snop  }
0x3c: {  	p2 =	seq.s32 s10, $0x1;
	s10 =	sld [smem:$0x3FB8]  }
0x3d: {  	_ =	shalt  }
0x3e: {  	_ =	shalt  }
0x3f: {  	_ =	shalt  }
0x40: {  	_ =	shalt  }
0x41: {  	_ =	shalt  }
0x42: {  	_ =	shalt  }
0x43: {  	_ =	shalt  }
0x44: {  	_ =	shalt  }
0x45: {  	_ =	shalt  }
0x46: {  	_ =	shalt  }
0x47: {  	_ =	shalt  }
0x48: {  	_ =	shalt  }
0x49: {  	_ =	shalt  }
0x4a: {  	_ =	shalt  }
0x4b: {  	_ =	shalt  }
0x4c: {  	_ =	shalt  }
0x4d: {  	_ =	shalt  }
0x4e: {  	_ =	shalt  }
0x4f: {  	_ =	shalt  }
0x50: {  	_ =	shalt  }
0x51: {  	_ =	shalt  }
0x52: {  	_ =	shalt  }
0x53: {  	_ =	shalt  }
0x54: {  	_ =	shalt  }
0x55: {  	_ =	shalt  }
0x56: {  	_ =	shalt  }
0x57: {  	_ =	shalt  }
0x58: {  	_ =	shalt  }
0x59: {  	_ =	shalt  }
0x5a: {  	_ =	shalt  }
0x5b: {  	_ =	shalt  }
0x5c: {  	_ =	shalt  }
0x5d: {  	_ =	shalt  }
0x5e: {  	_ =	shalt  }
0x5f: {  	_ =	shalt  }
0x60: {  	_ =	shalt  }
0x61: {  	_ =	shalt  }
0x62: {  	_ =	shalt  }
0x63: {  	_ =	shalt  }
0x64: {  	_ =	shalt  }
0x65: {  	_ =	shalt  }
0x66: {  	_ =	shalt  }
0x67: {  	_ =	shalt  }
0x68: {  	_ =	shalt  }
0x69: {  	_ =	shalt  }
0x6a: {  	_ =	shalt  }
0x6b: {  	_ =	shalt  }
0x6c: {  	_ =	shalt  }
0x6d: {  	_ =	shalt  }
0x6e: {  	_ =	shalt  }
0x6f: {  	_ =	shalt  }
0x70: {  	_ =	shalt  }
0x71: {  	_ =	shalt  }
0x72: {  	_ =	shalt  }
0x73: {  	_ =	shalt  }
0x74: {  	_ =	shalt  }
0x75: {  	_ =	shalt  }
0x76: {  	_ =	shalt  }
0x77: {  	_ =	shalt  }
0x78: {  	_ =	shalt  }
0x79: {  	_ =	shalt  }
0x7a: {  	_ =	shalt  }
0x7b: {  	_ =	shalt  }
0x7c: {  	_ =	shalt  }
0x7d: {  	_ =	shalt  }
0x7e: {  	_ =	shalt  }
0x7f: {  	_ =	shalt  }
0x80: {  	_ =	shalt  }
0x81: {  	_ =	shalt  }
0x82: {  	_ =	shalt  }
0x83: {  	_ =	shalt  }
0x84: {  	_ =	shalt  }
0x85: {  	_ =	shalt  }
0x86: {  	_ =	shalt  }
0x87: {  	_ =	shalt  }
.Lfunc_end0:
.L_simem_size_0:
called_computation.1_lowered:
.L_overlay_start_0:
0x88: {  	s2 =	sld [smem:$0x3FD9]  }
0x89: {  	s3 =	sld [smem:$0x3FFE];
	_ =	sdelay $0x1  }
0x8a: {  	s1 =	srdreg.scid  }
0x8b: {  	s0 =	sand.u32 $0x1, s1  }
0x8c: {  	s17 =	sshll.u32 s0, $0xA;
	s2 =	sadd.s32 s3, s2  }
0x8d: {  	s2 =	sadd.s32 s2, s17  }
0x8e: {  	[smem:$0x3FC4] =	sst s2  }
0x8f: {  	_ = 	snop  }
0x90: {  	s2 =	sld [smem:$0x3FD0];
	(tm) =	ssettm $0x1  }
0x91: {  	s18 =	sld [smem:$0x3FFB];
	_ =	sdelay $0x3  }
0x92: {  	_ =	strace s18  }
0x93: {  	s3 =	sld [smem:$0x3FFC];
	_ =	sdelay $0x3  }
0x94: {  	_ =	strace s3  }
0x95: {  	s3 =	sld [smem:$0x3FFD];
	_ =	sdelay $0x3  }
0x96: {  	_ =	strace s3  }
0x97: {  	_ =	strace $0x8FFFFFFF  }
0x98: {  	s19 =	sld [smem:$0x3FDB];
	_ =	sdelay $0x1  }
0x99: {  	s4 =	simm.s32 $_scs_section_size  }
0x9a: {  	s5 =	simm.s32 $_size__tile_overlayer_lowered;
	s6 =	simm.s32 $_tile_overlayer_lowered  }
0x9b: {  	s22 =	simm.s32 $0x1BFF;
	s21 =	sshll.u32 s6, $0x1;
	s3 =	sadd.s32 s4, s19  }
0x9c: {  	s7 =	simm.s32 $0x0;
	s20 =	sshll.u32 s5, $0x1;
	s5 =	sadd.s32 s21, s3  }
0x9d: {  	[timem:s7], [sflag:s22] =	dma.local [hbm:s5], s20  }
0x9e: {  	_ =	swait.ge [sflag:s22], s20  }
0x9f: {  	s4 =	ssub.s32 $0x0, s20;
	[sflag:s22] =	ssyncset.done $0x0  }
0xa0: {  	[sflag:s22] =	ssyncadd.s32 s4;
	_ =	sdelay $0x1  }
0xa1: {  	s23 =	simm.s32 $0x1B8B  }
0xa2: {  	_ =	swait.ge [sflag:s23], $0x1  }
0xa3: {  	[sflag:s23] =	ssyncset.done $0x0  }
0xa4: {  	s25 =	simm.s32 $0x1B8E;
	s24 =	sld [smem:$0x3FFE];
	[sflag:s23] =	ssyncadd.s32 $0xFFFFFFFF  }
0xa5: {  	s26 =	simm.s32 $execute0_lowered;
	[smem:$0x3FD2] =	sst s25  }
0xa6: {  	s5 =	sshll.u32 s26, $0x1;
	_ =	strace $0x80000049;
	[dreg:$0x1] =	wrdreg $0xFFFFFFFF  }
0xa7: {  	s28 =	simm.s32 $_size_execute0_lowered;
	s3 =	sadd.s32 s3, s5;
	[dreg:$0x0] =	wrdreg $0x0  }
0xa8: {  	s5 =	sshll.u32 s28, $0x1;
	[dreg:$0x2] =	wrdreg s3  }
0xa9: {  	[dreg:$0x3] =	wrdreg s5  }
0xaa: {  	[dreg:$0x4] =	wrdreg $0xC0  }
0xab: {  	_ =	task [dreg:s7], $0x5FFFF  }
0xac: {  	[dreg:$0x1] =	wrdreg $0xFFFFFFFF  }
0xad: {  	[dreg:$0x0] =	wrdreg $0x60  }
0xae: {  	[dreg:$0x2] =	wrdreg s24  }
0xaf: {  	[dreg:$0x3] =	wrdreg s2  }
0xb0: {  	[dreg:$0x4] =	wrdreg $0x0  }
0xb1: {  	[dreg:$0x5] =	wrdreg $0x9  }
0xb2: {  	_ =	task.clear_ibuf [dreg:s7], $0x6FFFF;
	_ =	strace $0x90000049  }
0xb3: {  	s29 =	simm.s32 $0x9;
	_ =	strace $0x8000004B  }
0xb4: {  	_ =	swait.ge [sflag:s29], $0x1  }
0xb5: {  	[sflag:s29] =	ssyncadd.s32 $0xFFFFFFFF  }
0xb6: {  	_ =	strace $0x9000004B  }
0xb7: {  	_ =	sfence  }
0xb8: {  	s30 =	sld [smem:$0x0];
	_ =	sdelay $0x2  }
0xb9: {  	s31 =	sshll.u32 s1, $0xD;
	s1 =	sshrl.u32 s1, $0x2  }
0xba: {  	s3 =	sand.u32 $0x4000, s31;
	s1 =	sadd.s32 s1, s30  }
0xbb: {  	s0 =	sor.u32 s3, s0;
	s1 =	sshll.u32 s1, $0x11  }
0xbc: {  	s0 =	sor.u32 s1, s0  }
0xbd: {  	s0 =	sadd.s32 $0x8F2B, s0  }
0xbe: {  	[sflag:s0] =	ssyncadd.remote.s32 $0x1  }
0xbf: {  	_ =	sfence.sel $0xFFFF  }
0xc0: {  	[dreg:$0x0] =	wrdreg $0xFFFFFFFF;
	(pc) =	sbr.abs _section_cstart, $3  }
0xc1: {  	[dreg:$0x1] =	wrdreg $0xFFFFFFFF  }
0xc2: {  	_ =	task.clear_ibuf [dreg:s7], $0x2FFFF;
	_ =	strace $0x9FFFFFFF  }
0xc3: {  	(tm) =	ssettm $0x7FFFFFFF  }
tec
execute0_lowered:
.L_overlay_start_1:
0x0: {  	(tag) =	ssettag $0x1  }
0x1: {  	s6 =	rddreg [dreg:$0x0]  }
0x2: {  	s1 =	rddreg [dreg:$0x1]  }
0x3: {  	s2 =	rddreg [dreg:$0x2]  }
0x4: {  	s0 =	rddreg [dreg:$0x3];
	s3 =	simm.s32 $0x0  }
0x5: {  	s4 =	srdreg.scid;
	s16 =	simm.s32 $0x0;
	[smem:$0x7FF] =	sst s3  }
0x6: {  	s7 =	sand.u32 $0x1, s4;
	s4 =	stileid.u32;
	s5 =	sadd.s32 $0x7A800, s6  }
0x7: {  	_ =	strace $0x8000004A;
	s8 =	smul.u32 $0x140000, s7;
	s9 =	sshll.u32 s4, $0x9  }
0x8: {  	s10 =	smul.u32 $0x14000, s4;
	p0 =	seq.s32 s7, $0x0;
	s11 =	sshll.u32 s4, $0xB  }
0x9: {  	s7 =	ssub.s32 $0x2, s7;
	s29 =	smul.u32 $0x50000, s4;
	s9 =	sor.u32 $0x8000, s9  }
0xa: {  	s31 =	sshll.u32 s4, $0x6;
	s28 =	sshrl.u32 s7, $0x1;
	s9 =	smov.u32 @p0 s11  }
0xb: {  	s8 =	sadd.s32 s10, s8;
	s14 =	ssub.s32 s7, s28;
	s7 =	simm.s32 $0x80  }
0xc: {  	s30 =	sshrl.u32 s29, $0x2;
	s8 =	sshrl.u32 s8, $0x3;
	s12 =	sadd.s32 s9, s6  }
0xd: {  	s7 =	simm.s32 @!p0 $0x20;
	s15 =	sadd.s32 s30, s2;
	s13 =	sadd.s32 s8, s6  }
0xe: {  	s6 =	simm.s32 $0x80;
	s8 =	sor.u32 $0x1C01, s31;
	s9 =	sadd.s32 $0x20000, s12  }
0xf: {  	s10 =	sadd.s32 $0x15800, s12;
	s12 =	smax.u32 s14, $0x1;
	s14 =	simm.s32 $0x1  }
0x10: {  	s11 =	sadd.s32 $0xA2800, s13;
	s13 =	sshrl.u32 s15, $0x3;
	s15 =	simm.s32 $0x1C000  }
.LBB2_1:
0x11: {  	[spmem:s13], [sflag:s8] =	dma.local [hbm:s1], $0x2800  }
0x12: {  	_ =	swait.ge [sflag:s14], $0x2800  }
0x13: {  	[sflag:s14] =	ssyncset.done $0x0  }
0x14: {  	s17 =	simm.s32 $0x14000;
	[sflag:s14] =	ssyncadd.s32 $0xFFFFD800  }
0x15: {  	[tilespmem:s17], [sflag:$0x1] =	stream.linear.gather [hbm4b:s9+s3], $0x4000, $0x38;
	v63 =	vld [tilespmem:$0x0]  }
0x16: {  	_ =	swait.ge [sflag:s14], $0x4000  }
0x17: {  	[sflag:s14] =	ssyncset.done $0x0  }
0x18: {  	s18 =	simm.s32 $0x18000;
	[sflag:s14] =	ssyncadd.s32 $0xFFFFC000  }
0x19: {  	[tilespmem:s18], [sflag:$0x1] =	stream.linear.gather [hbm4b:s10+s3], $0x4000, $0x38;
	v63 =	vld [tilespmem:$0x0]  }
0x1a: {  	_ =	swait.ge [sflag:s14], $0x4000  }
0x1b: {  	[sflag:s14] =	ssyncset.done $0x0  }
0x1c: {  	[sflag:s14] =	ssyncadd.s32 $0xFFFFC000  }
0x1d: {  	[bflag:$0x0] =	sbarrier.arrive $0xFFFF  }
0x1e: {  	[tilespmem:s15], [sflag:$0x1] =	stream.indirect.gather [hbm4b:s5+s6], $0x80, s17, s6, $0xb8;
	v63 =	vld [tilespmem:$0x0]  }
0x1f: {  	p0 =	sne.s32 s7, $0x1;
	_ =	swait.ge [sflag:s14], $0x4000  }
.Ltmp0:
0x20: {  	[sflag:s14] =	ssyncset.done $0x0;
	(pc) =	sbr.rel @!p0 .LBB2_3-.Ltmp0, $4  }
0x21: {  	[sflag:s14] =	ssyncadd.s32 $0xFFFFC000  }
0x22: {  	[spmem:s2] =	stream.indirect.scatter.add.f32 [tilespmem:s15], [sflag:$0x1], $0x80, s18, s6, $0xb8;
	v63 =	vld [tilespmem:$0x0]  }
0x23: {  	_ =	swait.ge [sflag:s14], $0x4000  }
0x24: {  	s19 =	sadd.s32 $0xFFFFFFFF, s7;
	[sflag:s14] =	ssyncset.done $0x0  }
.LBB2_2:
0x25: {  	[sflag:s14] =	ssyncadd.s32 $0xFFFFC000;
	s17 =	sadd.s32 $0x80, s17;
	s18 =	sadd.s32 $0x80, s18  }
0x26: {  	[tilespmem:s15], [sflag:$0x1] =	stream.indirect.gather [hbm4b:s5+s6], $0x80, s17, s6, $0xb8;
	v63 =	vld [tilespmem:$0x0]  }
0x27: {  	p0 =	sne.s32 s19, $0x1;
	s19 =	sadd.s32 $0xFFFFFFFF, s19;
	_ =	swait.ge [sflag:s14], $0x4000  }
.Ltmp1:
0x28: {  	[sflag:s14] =	ssyncset.done $0x0;
	(pc) =	sbr.rel @p0 .LBB2_2-.Ltmp1, $4  }
0x29: {  	[sflag:s14] =	ssyncadd.s32 $0xFFFFC000  }
0x2a: {  	[spmem:s2] =	stream.indirect.scatter.add.f32 [tilespmem:s15], [sflag:$0x1], $0x80, s18, s6, $0xb8;
	v63 =	vld [tilespmem:$0x0]  }
0x2b: {  	_ =	swait.ge [sflag:s14], $0x4000  }
0x2c: {  	[sflag:s14] =	ssyncset.done $0x0  }
.LBB2_3:
0x2d: {  	s16 =	sadd.s32 $0x1, s16  }
0x2e: {  	[sflag:s14] =	ssyncadd.s32 $0xFFFFC000;
	p0 =	sne.s32 s16, s12  }
.Ltmp2:
0x2f: {  	[bflag:$0x0] =	sbarrier.arrive $0xFFFF;
	(pc) =	sbr.rel @p0 .LBB2_1-.Ltmp2, $4  }
0x30: {  	[hbm:s11], [sflag:s8] =	dma.local [spmem:s13], $0x2800  }
0x31: {  	_ =	swait.ge [sflag:s14], $0x2800  }
0x32: {  	[sflag:s14] =	ssyncset.done $0x0  }
0x33: {  	[sflag:s14] =	ssyncadd.s32 $0xFFFFD800  }
0x34: {  	_ =	sfence.sel $0x180000  }
0x35: {  	[bflag:$0x0] =	sbarrier.arrive $0xFFFF  }
0x36: {  	p0 =	sne.s32 s4, $0x0;
	_ =	strace $0x9000004A  }
0x37: {  	s0 =	sadd.s32 @!p0 $0x100000, s0;
	[bflag:$0x2] =	sbarrier.arrive $0xFFFF  }
0x38: {  	[sflag:s0] =	ssyncadd.tile.s32 @!p0 $0x1;
	_ =	shalt  }
.Lfunc_end2:
_tile_overlayer_lowered:
.L_overlay_start_2:
0x39: {  	(tag) =	ssettag $0x2  }
0x3a: {  	s0 =	rddreg [dreg:$0x0];
	s2 =	stileid.u32  }
0x3b: {  	s1 =	rddreg [dreg:$0x1];
	p0 =	sne.s32 s2, $0x0  }
0x3c: {  	s3 =	rddreg [dreg:$0x2];
	[bflag:$0x3] =	sbarrier.arrive $0xFFFF;
	s2 =	simm.s32 @!p0 $0x1C01  }
0x3d: {  	[timem:s3], [sflag:s2] =	dma.local @!p0 [hbm:s0], s1  }
0x3e: {  	s0 =	simm.s32 @!p0 $0x1  }
0x3f: {  	_ =	swait.ge @!p0 [sflag:s0], s1  }
0x40: {  	s1 =	ssub.s32 @!p0 $0x0, s1;
	[sflag:s0] =	ssyncset.done @!p0 $0x0  }
0x41: {  	[sflag:s0] =	ssyncadd.s32 @!p0 s1  }
0x42: {  	[bflag:$0x3] =	sbarrier.arrive $0xFFFF  }
0x43: {  	_ =	shalt  }

</sc_bundles>
